<compile_context>
chip_gen: v7x
topology: tpu7x:2x2x1
jax: 0.10.2.dev20260603
libtpu: 0.0.44.dev20260713+nightly
codegen_flags: <defaults>
</compile_context>

<pallas_src>
import functools

import jax
import jax.numpy as jnp
from jax import lax
from jax.experimental import pallas as pl
from jax.experimental.pallas import tpu as pltpu
from jax.experimental.pallas import tpu_sc as plsc

POOL = 6611
EMBED = 768
BATCH = 4096
POOL_PAD = 6656
BM = 256

FEAT = 2 * 10 * 12 * 64

NC = 2
NS = 16
NW = NC * NS
HFEAT = FEAT // 2
SUB = HFEAT // NW
RD = 4
NCH = SUB // RD
HB = BATCH // 2


def _topk_body(x_ref, k_ref, val_ref, idx_ref):
    xs = x_ref[...]
    xn = xs * lax.rsqrt(jnp.maximum(jnp.sum(xs * xs, axis=1, keepdims=True), 1e-12))
    ks = k_ref[...]
    kn = ks * lax.rsqrt(jnp.maximum(jnp.sum(ks * ks, axis=1, keepdims=True), 1e-12))
    s = lax.dot_general(
        xn, kn, (((1,), (1,)), ((), ())),
        preferred_element_type=jnp.float32,
        precision=lax.Precision.DEFAULT,
    )
    col = lax.broadcasted_iota(jnp.int32, (BM, POOL_PAD), 1)
    s = jnp.where(col < POOL, s, -jnp.inf)
    m = jnp.max(s, axis=1, keepdims=True)
    li = jnp.min(jnp.where(s == m, col, POOL_PAD), axis=1, keepdims=True)
    val_ref[...] = m
    idx_ref[...] = li


_topk_call = pl.pallas_call(
    _topk_body,
    grid=(BATCH // BM,),
    in_specs=[
        pl.BlockSpec((BM, EMBED), lambda i: (i, 0)),
        pl.BlockSpec((POOL_PAD, EMBED), lambda i: (0, 0)),
    ],
    out_specs=[
        pl.BlockSpec((BM, 1), lambda i: (i, 0)),
        pl.BlockSpec((BM, 1), lambda i: (i, 0)),
    ],
    out_shape=[
        jax.ShapeDtypeStruct((BATCH, 1), jnp.float32),
        jax.ShapeDtypeStruct((BATCH, 1), jnp.int32),
    ],
)


_sc_mesh = plsc.VectorSubcoreMesh(
    core_axis_name="c", subcore_axis_name="s", num_cores=NC, num_subcores=NS
)




@functools.partial(
    pl.kernel,
    out_type=jax.ShapeDtypeStruct((FEAT, BATCH), jnp.float32),
    mesh=_sc_mesh,
    compiler_params=pltpu.CompilerParams(needs_layout_passes=False),
    scratch_types=[
        pltpu.VMEM((RD, POOL), jnp.float32),
        pltpu.VMEM((RD, POOL), jnp.float32),
        pltpu.VMEM((RD, HB), jnp.float32),
        pltpu.VMEM((RD, HB), jnp.float32),
        pltpu.VMEM((RD, HB), jnp.float32),
        pltpu.VMEM((RD, HB), jnp.float32),
        pltpu.VMEM((2, HB), jnp.int32),
        pltpu.SemaphoreType.DMA,
        pltpu.SemaphoreType.DMA,
        pltpu.SemaphoreType.DMA,
        pltpu.SemaphoreType.DMA,
    ],
)
def _gather_kernel(
    tab_hbm, idx_hbm, out_hbm,
    tin0, tin1, toutA0, toutA1, toutB0, toutB1, idx_v,
    si0, si1, so0, so1,
):
    wid = lax.axis_index("s") * NC + lax.axis_index("c")
    base = wid * SUB
    pltpu.sync_copy(idx_hbm, idx_v)
    tins = (tin0, tin1)
    touts = ((toutA0, toutA1), (toutB0, toutB1))
    sems_i = (si0, si1)
    sems_o = (so0, so1)

    def start_in(p, k):
        r0 = k * HFEAT + base + p * RD
        pltpu.async_copy(tab_hbm.at[pl.ds(r0, RD)], tins[k], sems_i[k])

    def wait_in(p, k):
        r0 = k * HFEAT + base + p * RD
        pltpu.make_async_copy(tab_hbm.at[pl.ds(r0, RD)], tins[k], sems_i[k]).wait()

    def start_out(p, k):
        r0 = base + p * RD
        for d in (0, 1):
            pltpu.async_copy(
                touts[d][k],
                out_hbm.at[pl.ds(d * HFEAT + r0, RD), pl.ds(k * HB, HB)],
                sems_o[k],
            )

    def wait_out(p, k):
        r0 = base + p * RD
        for d in (0, 1):
            pltpu.make_async_copy(
                touts[d][k],
                out_hbm.at[pl.ds(d * HFEAT + r0, RD), pl.ds(k * HB, HB)],
                sems_o[k],
            ).wait()

    start_in(0, 0)
    start_in(0, 1)

    def gather_chunk(k):
        tin_h = tins[k]

        @plsc.parallel_loop(0, HB // 16, unroll=4)
        def g_body(g):
            for d in (0, 1):
                cols = idx_v[d, pl.ds(g * 16, 16)]
                for q in range(RD):
                    rows = jnp.full((16,), q, jnp.int32)
                    v = plsc.load_gather(tin_h, [rows, cols])
                    touts[d][k][q, pl.ds(g * 16, 16)] = v

    def body(p, carry):
        for k in (0, 1):
            @pl.when(p > 0)
            def _():
                wait_out(p - 1, k)

            wait_in(p, k)
            gather_chunk(k)

            @pl.when(p + 1 < NCH)
            def _():
                start_in(p + 1, k)

            start_out(p, k)
        return carry

    lax.fori_loop(0, NCH, body, 0)
    wait_out(NCH - 1, 0)
    wait_out(NCH - 1, 1)


def kernel(cls_features, prompt, prompt_key):
    val, idx = _topk_call(cls_features, prompt_key)
    idx_flat = idx[:, 0]
    idx01 = jnp.stack([idx_flat[0::2], idx_flat[1::2]])
    tab_t = jnp.transpose(prompt, (0, 1, 3, 4, 5, 2)).reshape(FEAT, POOL)
    rows_t = _gather_kernel(tab_t, idx01)
    batched_prompt = rows_t.reshape(1, 2, 10, 12, 64, BATCH).transpose(0, 5, 1, 2, 3, 4)
    return (val, idx, batched_prompt)

# --- scband reference (transcript-rebuilt; emitter-appended) ---
"""Pipeline reference for scband-eprompt-with-topic-modelling-21526376088104 (READ-ONLY COPY).

The authoritative reference and input builder live on the scoring server;
editing this copy changes nothing except your own understanding.
"""

import jax, jax.numpy as jnp
import numpy as np

POOL_SIZE = 6611
EMBED_DIM = 768
NUM_LAYERS = 1
TOP_K = 1
NUM_HEADS = 12
LENGTH = 10
BATCH = 4096
HEAD_DIM = EMBED_DIM // NUM_HEADS


def l2_normalize(x, axis=None, epsilon=1e-12):
    square_sum = jnp.sum(x ** 2, axis=axis, keepdims=True)
    x_inv_norm = jax.lax.rsqrt(jnp.maximum(square_sum, epsilon))
    return x * x_inv_norm


def setup_inputs(seed: int = 0) -> dict:
    key = jax.random.key(seed)
    k1, k2, k3 = jax.random.split(key, 3)
    cls_features = jax.random.normal(k1, (BATCH, EMBED_DIM), dtype=jnp.float32)
    # learned parameters (topic embeddings loaded from file in the original; synthesized here)
    prompt_key = jax.random.normal(k2, (POOL_SIZE, EMBED_DIM), dtype=jnp.float32)
    prompt = jax.random.uniform(k3, (NUM_LAYERS, 2, POOL_SIZE, LENGTH, NUM_HEADS, HEAD_DIM), dtype=jnp.float32, minval=-1.0, maxval=1.0)
    return {"cls_features": cls_features, "prompt": prompt, "prompt_key": prompt_key}


def reference(cls_features, prompt, prompt_key):
    prompt_key_norm = l2_normalize(prompt_key, axis=-1)
    x_embed_norm = l2_normalize(cls_features, axis=-1)
    similarity = jnp.matmul(prompt_key_norm, x_embed_norm.T)
    similarity = similarity.T  # [B, pool_size]
    if similarity.ndim == 1:
        similarity = similarity[:, None]
    similarity_top_k, idx = jax.lax.top_k(similarity, TOP_K)
    # prompt_pool[:, :, idx] -> gather along axis 2
    batched_prompt_raw = jnp.take(prompt, idx, axis=2)
    num_layers, dual, batch_size, top_k, length, num_heads, heads_embed_dim = batched_prompt_raw.shape
    batched_prompt = batched_prompt_raw.reshape(num_layers, batch_size, dual, top_k * length, num_heads, heads_embed_dim)
    return (similarity_top_k, idx, batched_prompt)

if __name__ == "__main__":
    import jax
    _d = setup_inputs()
    print(jax.jit(kernel)(*tuple(_d.values())))

</pallas_src>

<mosaic_0001>
#map = affine_map<(d0, d1) -> (0, 0)>
module attributes {stable_mosaic.version = 14 : i64} {
  func.func @_gather_kernel(%arg0: i32, %arg1: i32, %arg2: memref<15360x6611xf32, #tpu.memory_space<hbm>>, %arg3: memref<2x2048xi32, #tpu.memory_space<hbm>>, %arg4: memref<15360x4096xf32, #tpu.memory_space<hbm>>, %arg5: memref<4x6611xf32, #tpu.memory_space<vmem>>, %arg6: memref<4x6611xf32, #tpu.memory_space<vmem>>, %arg7: memref<4x2048xf32, #tpu.memory_space<vmem>>, %arg8: memref<4x2048xf32, #tpu.memory_space<vmem>>, %arg9: memref<4x2048xf32, #tpu.memory_space<vmem>>, %arg10: memref<4x2048xf32, #tpu.memory_space<vmem>>, %arg11: memref<2x2048xi32, #tpu.memory_space<vmem>>, %arg12: memref<!tpu.dma_semaphore, #tpu.memory_space<semaphore_mem>>, %arg13: memref<!tpu.dma_semaphore, #tpu.memory_space<semaphore_mem>>, %arg14: memref<!tpu.dma_semaphore, #tpu.memory_space<semaphore_mem>>, %arg15: memref<!tpu.dma_semaphore, #tpu.memory_space<semaphore_mem>>) attributes {dimension_semantics = [#tpu.dimension_semantics<core_parallel>, #tpu.dimension_semantics<subcore_parallel>], iteration_bounds = array<i64: 2, 16>, scalar_prefetch = 0 : i64, scratch_operands = 11 : i64, tpu.core_type = #tpu.core_type<sc_vector_subcore>, window_params = [{transform_indices = #map}, {transform_indices = #map}, {transform_indices = #map}]} {
    %mul3A = arith.constant 2 : i32
    %mul3A_0 = arith.muli %arg1, %mul3A : i32
    %add3A = arith.addi %mul3A_0, %arg0 : i32
    %mul3A_1 = arith.constant 240 : i32
    %mul3A_2 = arith.muli %add3A, %mul3A_1 : i32
    "tpu.region"() ({
      %run_scoped3A = tpu.sem_alloc : memref<!tpu.dma_semaphore, #tpu.memory_space<semaphore_mem>>
      tpu.enqueue_dma source(%arg3 : memref<2x2048xi32, #tpu.memory_space<hbm>>) target(%arg11 : memref<2x2048xi32, #tpu.memory_space<vmem>>) target_semaphore(%run_scoped3A : memref<!tpu.dma_semaphore, #tpu.memory_space<semaphore_mem>>)
      tpu.wait_dma2 semaphore(%run_scoped3A : memref<!tpu.dma_semaphore, #tpu.memory_space<semaphore_mem>>) src(%arg3 : memref<2x2048xi32, #tpu.memory_space<hbm>>) dst(%arg11 : memref<2x2048xi32, #tpu.memory_space<vmem>>)
      tpu.yield
    }) : () -> ()
    %add3A_3 = arith.constant 0 : i32
    %add3A_4 = arith.addi %add3A_3, %mul3A_2 : i32
    %add3A_5 = arith.constant 0 : i32
    %add3A_6 = arith.addi %add3A_4, %add3A_5 : i32
    %dma_start3A = arith.constant 0 : i32
    %dma_start3A_7 = tpu.memref_slice %arg2[%add3A_6, %dma_start3A] : memref<15360x6611xf32, #tpu.memory_space<hbm>> -> memref<4x6611xf32, #tpu.memory_space<hbm>>
    %dma_start3A_8 = arith.constant 0 : i32
    %dma_start3A_9 = tpu.memref_slice %arg2[%add3A_6, %dma_start3A_8] : memref<15360x6611xf32, #tpu.memory_space<hbm>> -> memref<4x6611xf32, #tpu.memory_space<hbm>>
    tpu.enqueue_dma source(%dma_start3A_9 : memref<4x6611xf32, #tpu.memory_space<hbm>>) target(%arg5 : memref<4x6611xf32, #tpu.memory_space<vmem>>) target_semaphore(%arg12 : memref<!tpu.dma_semaphore, #tpu.memory_space<semaphore_mem>>)
    %add3A_10 = arith.constant 7680 : i32
    %add3A_11 = arith.addi %add3A_10, %mul3A_2 : i32
    %add3A_12 = arith.constant 0 : i32
    %add3A_13 = arith.addi %add3A_11, %add3A_12 : i32
    %dma_start3A_14 = arith.constant 0 : i32
    %dma_start3A_15 = tpu.memref_slice %arg2[%add3A_13, %dma_start3A_14] : memref<15360x6611xf32, #tpu.memory_space<hbm>> -> memref<4x6611xf32, #tpu.memory_space<hbm>>
    %dma_start3A_16 = arith.constant 0 : i32
    %dma_start3A_17 = tpu.memref_slice %arg2[%add3A_13, %dma_start3A_16] : memref<15360x6611xf32, #tpu.memory_space<hbm>> -> memref<4x6611xf32, #tpu.memory_space<hbm>>
    tpu.enqueue_dma source(%dma_start3A_17 : memref<4x6611xf32, #tpu.memory_space<hbm>>) target(%arg6 : memref<4x6611xf32, #tpu.memory_space<vmem>>) target_semaphore(%arg13 : memref<!tpu.dma_semaphore, #tpu.memory_space<semaphore_mem>>)
    %scan3A = arith.constant 0 : i32
    %scan3A_18 = arith.constant 0 : i32
    %scan3A_19 = arith.constant 60 : i32
    %scan3A_20 = arith.addi %scan3A_18, %scan3A_19 : i32
    %scan3A_21 = arith.constant 1 : i32
    scf.for %scan3A_50 = %scan3A_18 to %scan3A_20 step %scan3A_21  : i32 {
      %gt3A = arith.constant 0 : i32
      %gt3A_51 = arith.cmpi sgt, %scan3A_50, %gt3A : i32
      %convert_element_type3A = arith.extui %gt3A_51 : i1 to i32
      %cond3A = arith.constant 0 : i32
      %cond3A_52 = arith.cmpi ne, %convert_element_type3A, %cond3A : i32
      scf.if %cond3A_52 {
        %sub3A = arith.constant 1 : i32
        %sub3A_124 = arith.subi %scan3A_50, %sub3A : i32
        %mul3A_125 = arith.constant 4 : i32
        %mul3A_126 = arith.muli %sub3A_124, %mul3A_125 : i32
        %add3A_127 = arith.addi %mul3A_2, %mul3A_126 : i32
        %add3A_128 = arith.constant 0 : i32
        %add3A_129 = arith.addi %add3A_128, %add3A_127 : i32
        %dma_wait3A_130 = arith.constant 0 : i32
        %dma_wait3A_131 = tpu.memref_slice %arg4[%add3A_129, %dma_wait3A_130] : memref<15360x4096xf32, #tpu.memory_space<hbm>> -> memref<4x2048xf32, #tpu.memory_space<hbm>>
        %dma_wait3A_132 = arith.constant 0 : i32
        %dma_wait3A_133 = tpu.memref_slice %arg4[%add3A_129, %dma_wait3A_132] : memref<15360x4096xf32, #tpu.memory_space<hbm>> -> memref<4x2048xf32, #tpu.memory_space<hbm>>
        tpu.wait_dma2 semaphore(%arg14 : memref<!tpu.dma_semaphore, #tpu.memory_space<semaphore_mem>>) src(%arg7 : memref<4x2048xf32, #tpu.memory_space<vmem>>) dst(%dma_wait3A_133 : memref<4x2048xf32, #tpu.memory_space<hbm>>)
        %add3A_134 = arith.constant 7680 : i32
        %add3A_135 = arith.addi %add3A_134, %add3A_127 : i32
        %dma_wait3A_136 = arith.constant 0 : i32
        %dma_wait3A_137 = tpu.memref_slice %arg4[%add3A_135, %dma_wait3A_136] : memref<15360x4096xf32, #tpu.memory_space<hbm>> -> memref<4x2048xf32, #tpu.memory_space<hbm>>
        %dma_wait3A_138 = arith.constant 0 : i32
        %dma_wait3A_139 = tpu.memref_slice %arg4[%add3A_135, %dma_wait3A_138] : memref<15360x4096xf32, #tpu.memory_space<hbm>> -> memref<4x2048xf32, #tpu.memory_space<hbm>>
        tpu.wait_dma2 semaphore(%arg14 : memref<!tpu.dma_semaphore, #tpu.memory_space<semaphore_mem>>) src(%arg9 : memref<4x2048xf32, #tpu.memory_space<vmem>>) dst(%dma_wait3A_139 : memref<4x2048xf32, #tpu.memory_space<hbm>>)
      } else {
      }
      %add3A_53 = arith.constant 0 : i32
      %add3A_54 = arith.addi %add3A_53, %mul3A_2 : i32
      %mul3A_55 = arith.constant 4 : i32
      %mul3A_56 = arith.muli %scan3A_50, %mul3A_55 : i32
      %add3A_57 = arith.addi %add3A_54, %mul3A_56 : i32
      %dma_wait3A_58 = arith.constant 0 : i32
      %dma_wait3A_59 = tpu.memref_slice %arg2[%add3A_57, %dma_wait3A_58] : memref<15360x6611xf32, #tpu.memory_space<hbm>> -> memref<4x6611xf32, #tpu.memory_space<hbm>>
      %dma_wait3A_60 = arith.constant 0 : i32
      %dma_wait3A_61 = tpu.memref_slice %arg2[%add3A_57, %dma_wait3A_60] : memref<15360x6611xf32, #tpu.memory_space<hbm>> -> memref<4x6611xf32, #tpu.memory_space<hbm>>
      tpu.wait_dma2 semaphore(%arg12 : memref<!tpu.dma_semaphore, #tpu.memory_space<semaphore_mem>>) src(%dma_wait3A_61 : memref<4x6611xf32, #tpu.memory_space<hbm>>) dst(%arg5 : memref<4x6611xf32, #tpu.memory_space<vmem>>)
      %parallel_loop3A = arith.constant 0 : i32
      %parallel_loop3A_62 = arith.constant 128 : i32
      %parallel_loop3A_63 = arith.constant 1 : i32
      scf.for %parallel_loop3A_124 = %parallel_loop3A to %parallel_loop3A_62 step %parallel_loop3A_63  : i32 {
        %parallel_loop3A_125 = arith.constant 16 : i32
        %parallel_loop3A_126 = arith.muli %parallel_loop3A_124, %parallel_loop3A_125 : i32
        %parallel_loop3A_127 = arith.constant 0 : i32
        %parallel_loop3A_128 = arith.index_cast %parallel_loop3A_127 : i32 to index
        %parallel_loop3A_129 = arith.index_cast %parallel_loop3A_126 : i32 to index
        %parallel_loop3A_130 = tpu.vector_load %arg11[%parallel_loop3A_128, %parallel_loop3A_129] {strides = array<i32>} : memref<2x2048xi32, #tpu.memory_space<vmem>>, vector<16xi32>,
        %parallel_loop3A_131 = arith.constant 0 : i32
        %parallel_loop3A_132 = vector.broadcast %parallel_loop3A_131 : i32 to vector<16xi32>
        %parallel_loop3A_133 = tpu.vector_load_idx %arg5[%parallel_loop3A_132, %parallel_loop3A_130] : memref<4x6611xf32, #tpu.memory_space<vmem>>[vector<16xi32>, vector<16xi32>], vector<16xf32>,
        %parallel_loop3A_134 = arith.constant 16 : i32
        %parallel_loop3A_135 = arith.muli %parallel_loop3A_124, %parallel_loop3A_134 : i32
        %parallel_loop3A_136 = arith.constant 0 : i32
        %parallel_loop3A_137 = arith.index_cast %parallel_loop3A_136 : i32 to index
        %parallel_loop3A_138 = arith.index_cast %parallel_loop3A_135 : i32 to index
        %parallel_loop3A_139 = tpu.vector_load %arg7[%parallel_loop3A_137, %parallel_loop3A_138] {strides = array<i32>} : memref<4x2048xf32, #tpu.memory_space<vmem>>, vector<16xf32>,
        tpu.vector_store %arg7[%parallel_loop3A_137, %parallel_loop3A_138], %parallel_loop3A_133 {strides = array<i32>} : memref<4x2048xf32, #tpu.memory_space<vmem>>, vector<16xf32>,
        %parallel_loop3A_140 = arith.constant 1 : i32
        %parallel_loop3A_141 = vector.broadcast %parallel_loop3A_140 : i32 to vector<16xi32>
        %parallel_loop3A_142 = tpu.vector_load_idx %arg5[%parallel_loop3A_141, %parallel_loop3A_130] : memref<4x6611xf32, #tpu.memory_space<vmem>>[vector<16xi32>, vector<16xi32>], vector<16xf32>,
        %parallel_loop3A_143 = arith.constant 16 : i32
        %parallel_loop3A_144 = arith.muli %parallel_loop3A_124, %parallel_loop3A_143 : i32
        %parallel_loop3A_145 = arith.constant 1 : i32
        %parallel_loop3A_146 = arith.index_cast %parallel_loop3A_145 : i32 to index
        %parallel_loop3A_147 = arith.index_cast %parallel_loop3A_144 : i32 to index
        %parallel_loop3A_148 = tpu.vector_load %arg7[%parallel_loop3A_146, %parallel_loop3A_147] {strides = array<i32>} : memref<4x2048xf32, #tpu.memory_space<vmem>>, vector<16xf32>,
        tpu.vector_store %arg7[%parallel_loop3A_146, %parallel_loop3A_147], %parallel_loop3A_142 {strides = array<i32>} : memref<4x2048xf32, #tpu.memory_space<vmem>>, vector<16xf32>,
        %parallel_loop3A_149 = arith.constant 2 : i32
        %parallel_loop3A_150 = vector.broadcast %parallel_loop3A_149 : i32 to vector<16xi32>
        %parallel_loop3A_151 = tpu.vector_load_idx %arg5[%parallel_loop3A_150, %parallel_loop3A_130] : memref<4x6611xf32, #tpu.memory_space<vmem>>[vector<16xi32>, vector<16xi32>], vector<16xf32>,
        %parallel_loop3A_152 = arith.constant 16 : i32
        %parallel_loop3A_153 = arith.muli %parallel_loop3A_124, %parallel_loop3A_152 : i32
        %parallel_loop3A_154 = arith.constant 2 : i32
        %parallel_loop3A_155 = arith.index_cast %parallel_loop3A_154 : i32 to index
        %parallel_loop3A_156 = arith.index_cast %parallel_loop3A_153 : i32 to index
        %parallel_loop3A_157 = tpu.vector_load %arg7[%parallel_loop3A_155, %parallel_loop3A_156] {strides = array<i32>} : memref<4x2048xf32, #tpu.memory_space<vmem>>, vector<16xf32>,
        tpu.vector_store %arg7[%parallel_loop3A_155, %parallel_loop3A_156], %parallel_loop3A_151 {strides = array<i32>} : memref<4x2048xf32, #tpu.memory_space<vmem>>, vector<16xf32>,
        %parallel_loop3A_158 = arith.constant 3 : i32
        %parallel_loop3A_159 = vector.broadcast %parallel_loop3A_158 : i32 to vector<16xi32>
        %parallel_loop3A_160 = tpu.vector_load_idx %arg5[%parallel_loop3A_159, %parallel_loop3A_130] : memref<4x6611xf32, #tpu.memory_space<vmem>>[vector<16xi32>, vector<16xi32>], vector<16xf32>,
        %parallel_loop3A_161 = arith.constant 16 : i32
        %parallel_loop3A_162 = arith.muli %parallel_loop3A_124, %parallel_loop3A_161 : i32
        %parallel_loop3A_163 = arith.constant 3 : i32
        %parallel_loop3A_164 = arith.index_cast %parallel_loop3A_163 : i32 to index
        %parallel_loop3A_165 = arith.index_cast %parallel_loop3A_162 : i32 to index
        %parallel_loop3A_166 = tpu.vector_load %arg7[%parallel_loop3A_164, %parallel_loop3A_165] {strides = array<i32>} : memref<4x2048xf32, #tpu.memory_space<vmem>>, vector<16xf32>,
        tpu.vector_store %arg7[%parallel_loop3A_164, %parallel_loop3A_165], %parallel_loop3A_160 {strides = array<i32>} : memref<4x2048xf32, #tpu.memory_space<vmem>>, vector<16xf32>,
        %parallel_loop3A_167 = arith.constant 16 : i32
        %parallel_loop3A_168 = arith.muli %parallel_loop3A_124, %parallel_loop3A_167 : i32
        %parallel_loop3A_169 = arith.constant 1 : i32
        %parallel_loop3A_170 = arith.index_cast %parallel_loop3A_169 : i32 to index
        %parallel_loop3A_171 = arith.index_cast %parallel_loop3A_168 : i32 to index
        %parallel_loop3A_172 = tpu.vector_load %arg11[%parallel_loop3A_170, %parallel_loop3A_171] {strides = array<i32>} : memref<2x2048xi32, #tpu.memory_space<vmem>>, vector<16xi32>,
        %parallel_loop3A_173 = arith.constant 0 : i32
        %parallel_loop3A_174 = vector.broadcast %parallel_loop3A_173 : i32 to vector<16xi32>
        %parallel_loop3A_175 = tpu.vector_load_idx %arg5[%parallel_loop3A_174, %parallel_loop3A_172] : memref<4x6611xf32, #tpu.memory_space<vmem>>[vector<16xi32>, vector<16xi32>], vector<16xf32>,
        %parallel_loop3A_176 = arith.constant 16 : i32
        %parallel_loop3A_177 = arith.muli %parallel_loop3A_124, %parallel_loop3A_176 : i32
        %parallel_loop3A_178 = arith.constant 0 : i32
        %parallel_loop3A_179 = arith.index_cast %parallel_loop3A_178 : i32 to index
        %parallel_loop3A_180 = arith.index_cast %parallel_loop3A_177 : i32 to index
        %parallel_loop3A_181 = tpu.vector_load %arg9[%parallel_loop3A_179, %parallel_loop3A_180] {strides = array<i32>} : memref<4x2048xf32, #tpu.memory_space<vmem>>, vector<16xf32>,
        tpu.vector_store %arg9[%parallel_loop3A_179, %parallel_loop3A_180], %parallel_loop3A_175 {strides = array<i32>} : memref<4x2048xf32, #tpu.memory_space<vmem>>, vector<16xf32>,
        %parallel_loop3A_182 = arith.constant 1 : i32
        %parallel_loop3A_183 = vector.broadcast %parallel_loop3A_182 : i32 to vector<16xi32>
        %parallel_loop3A_184 = tpu.vector_load_idx %arg5[%parallel_loop3A_183, %parallel_loop3A_172] : memref<4x6611xf32, #tpu.memory_space<vmem>>[vector<16xi32>, vector<16xi32>], vector<16xf32>,
        %parallel_loop3A_185 = arith.constant 16 : i32
        %parallel_loop3A_186 = arith.muli %parallel_loop3A_124, %parallel_loop3A_185 : i32
        %parallel_loop3A_187 = arith.constant 1 : i32
        %parallel_loop3A_188 = arith.index_cast %parallel_loop3A_187 : i32 to index
        %parallel_loop3A_189 = arith.index_cast %parallel_loop3A_186 : i32 to index
        %parallel_loop3A_190 = tpu.vector_load %arg9[%parallel_loop3A_188, %parallel_loop3A_189] {strides = array<i32>} : memref<4x2048xf32, #tpu.memory_space<vmem>>, vector<16xf32>,
        tpu.vector_store %arg9[%parallel_loop3A_188, %parallel_loop3A_189], %parallel_loop3A_184 {strides = array<i32>} : memref<4x2048xf32, #tpu.memory_space<vmem>>, vector<16xf32>,
        %parallel_loop3A_191 = arith.constant 2 : i32
        %parallel_loop3A_192 = vector.broadcast %parallel_loop3A_191 : i32 to vector<16xi32>
        %parallel_loop3A_193 = tpu.vector_load_idx %arg5[%parallel_loop3A_192, %parallel_loop3A_172] : memref<4x6611xf32, #tpu.memory_space<vmem>>[vector<16xi32>, vector<16xi32>], vector<16xf32>,
        %parallel_loop3A_194 = arith.constant 16 : i32
        %parallel_loop3A_195 = arith.muli %parallel_loop3A_124, %parallel_loop3A_194 : i32
        %parallel_loop3A_196 = arith.constant 2 : i32
        %parallel_loop3A_197 = arith.index_cast %parallel_loop3A_196 : i32 to index
        %parallel_loop3A_198 = arith.index_cast %parallel_loop3A_195 : i32 to index
        %parallel_loop3A_199 = tpu.vector_load %arg9[%parallel_loop3A_197, %parallel_loop3A_198] {strides = array<i32>} : memref<4x2048xf32, #tpu.memory_space<vmem>>, vector<16xf32>,
        tpu.vector_store %arg9[%parallel_loop3A_197, %parallel_loop3A_198], %parallel_loop3A_193 {strides = array<i32>} : memref<4x2048xf32, #tpu.memory_space<vmem>>, vector<16xf32>,
        %parallel_loop3A_200 = arith.constant 3 : i32
        %parallel_loop3A_201 = vector.broadcast %parallel_loop3A_200 : i32 to vector<16xi32>
        %parallel_loop3A_202 = tpu.vector_load_idx %arg5[%parallel_loop3A_201, %parallel_loop3A_172] : memref<4x6611xf32, #tpu.memory_space<vmem>>[vector<16xi32>, vector<16xi32>], vector<16xf32>,
        %parallel_loop3A_203 = arith.constant 16 : i32
        %parallel_loop3A_204 = arith.muli %parallel_loop3A_124, %parallel_loop3A_203 : i32
        %parallel_loop3A_205 = arith.constant 3 : i32
        %parallel_loop3A_206 = arith.index_cast %parallel_loop3A_205 : i32 to index
        %parallel_loop3A_207 = arith.index_cast %parallel_loop3A_204 : i32 to index
        %parallel_loop3A_208 = tpu.vector_load %arg9[%parallel_loop3A_206, %parallel_loop3A_207] {strides = array<i32>} : memref<4x2048xf32, #tpu.memory_space<vmem>>, vector<16xf32>,
        tpu.vector_store %arg9[%parallel_loop3A_206, %parallel_loop3A_207], %parallel_loop3A_202 {strides = array<i32>} : memref<4x2048xf32, #tpu.memory_space<vmem>>, vector<16xf32>,
      } {sc.loop_unroll_factor = 4 : i64, sc.parallel_access}
      %add3A_64 = arith.constant 1 : i32
      %add3A_65 = arith.addi %scan3A_50, %add3A_64 : i32
      %lt3A = arith.constant 60 : i32
      %lt3A_66 = arith.cmpi slt, %add3A_65, %lt3A : i32
      %convert_element_type3A_67 = arith.extui %lt3A_66 : i1 to i32
      %cond3A_68 = arith.constant 0 : i32
      %cond3A_69 = arith.cmpi ne, %convert_element_type3A_67, %cond3A_68 : i32
      scf.if %cond3A_69 {
        %add3A_124 = arith.constant 1 : i32
        %add3A_125 = arith.addi %scan3A_50, %add3A_124 : i32
        %add3A_126 = arith.constant 0 : i32
        %add3A_127 = arith.addi %add3A_126, %mul3A_2 : i32
        %mul3A_128 = arith.constant 4 : i32
        %mul3A_129 = arith.muli %add3A_125, %mul3A_128 : i32
        %add3A_130 = arith.addi %add3A_127, %mul3A_129 : i32
        %dma_start3A_131 = arith.constant 0 : i32
        %dma_start3A_132 = tpu.memref_slice %arg2[%add3A_130, %dma_start3A_131] : memref<15360x6611xf32, #tpu.memory_space<hbm>> -> memref<4x6611xf32, #tpu.memory_space<hbm>>
        %dma_start3A_133 = arith.constant 0 : i32
        %dma_start3A_134 = tpu.memref_slice %arg2[%add3A_130, %dma_start3A_133] : memref<15360x6611xf32, #tpu.memory_space<hbm>> -> memref<4x6611xf32, #tpu.memory_space<hbm>>
        tpu.enqueue_dma source(%dma_start3A_134 : memref<4x6611xf32, #tpu.memory_space<hbm>>) target(%arg5 : memref<4x6611xf32, #tpu.memory_space<vmem>>) target_semaphore(%arg12 : memref<!tpu.dma_semaphore, #tpu.memory_space<semaphore_mem>>)
      } else {
      }
      %mul3A_70 = arith.constant 4 : i32
      %mul3A_71 = arith.muli %scan3A_50, %mul3A_70 : i32
      %add3A_72 = arith.addi %mul3A_2, %mul3A_71 : i32
      %add3A_73 = arith.constant 0 : i32
      %add3A_74 = arith.addi %add3A_73, %add3A_72 : i32
      %dma_start3A_75 = arith.constant 0 : i32
      %dma_start3A_76 = tpu.memref_slice %arg4[%add3A_74, %dma_start3A_75] : memref<15360x4096xf32, #tpu.memory_space<hbm>> -> memref<4x2048xf32, #tpu.memory_space<hbm>>
      %dma_start3A_77 = arith.constant 0 : i32
      %dma_start3A_78 = tpu.memref_slice %arg4[%add3A_74, %dma_start3A_77] : memref<15360x4096xf32, #tpu.memory_space<hbm>> -> memref<4x2048xf32, #tpu.memory_space<hbm>>
      tpu.enqueue_dma source(%arg7 : memref<4x2048xf32, #tpu.memory_space<vmem>>) target(%dma_start3A_78 : memref<4x2048xf32, #tpu.memory_space<hbm>>) target_semaphore(%arg14 : memref<!tpu.dma_semaphore, #tpu.memory_space<semaphore_mem>>)
      %add3A_79 = arith.constant 7680 : i32
      %add3A_80 = arith.addi %add3A_79, %add3A_72 : i32
      %dma_start3A_81 = arith.constant 0 : i32
      %dma_start3A_82 = tpu.memref_slice %arg4[%add3A_80, %dma_start3A_81] : memref<15360x4096xf32, #tpu.memory_space<hbm>> -> memref<4x2048xf32, #tpu.memory_space<hbm>>
      %dma_start3A_83 = arith.constant 0 : i32
      %dma_start3A_84 = tpu.memref_slice %arg4[%add3A_80, %dma_start3A_83] : memref<15360x4096xf32, #tpu.memory_space<hbm>> -> memref<4x2048xf32, #tpu.memory_space<hbm>>
      tpu.enqueue_dma source(%arg9 : memref<4x2048xf32, #tpu.memory_space<vmem>>) target(%dma_start3A_84 : memref<4x2048xf32, #tpu.memory_space<hbm>>) target_semaphore(%arg14 : memref<!tpu.dma_semaphore, #tpu.memory_space<semaphore_mem>>)
      %gt3A_85 = arith.constant 0 : i32
      %gt3A_86 = arith.cmpi sgt, %scan3A_50, %gt3A_85 : i32
      %convert_element_type3A_87 = arith.extui %gt3A_86 : i1 to i32
      %cond3A_88 = arith.constant 0 : i32
      %cond3A_89 = arith.cmpi ne, %convert_element_type3A_87, %cond3A_88 : i32
      scf.if %cond3A_89 {
        %sub3A = arith.constant 1 : i32
        %sub3A_124 = arith.subi %scan3A_50, %sub3A : i32
        %mul3A_125 = arith.constant 4 : i32
        %mul3A_126 = arith.muli %sub3A_124, %mul3A_125 : i32
        %add3A_127 = arith.addi %mul3A_2, %mul3A_126 : i32
        %add3A_128 = arith.constant 0 : i32
        %add3A_129 = arith.addi %add3A_128, %add3A_127 : i32
        %dma_wait3A_130 = arith.constant 2048 : i32
        %dma_wait3A_131 = tpu.memref_slice %arg4[%add3A_129, %dma_wait3A_130] : memref<15360x4096xf32, #tpu.memory_space<hbm>> -> memref<4x2048xf32, #tpu.memory_space<hbm>>
        %dma_wait3A_132 = arith.constant 2048 : i32
        %dma_wait3A_133 = tpu.memref_slice %arg4[%add3A_129, %dma_wait3A_132] : memref<15360x4096xf32, #tpu.memory_space<hbm>> -> memref<4x2048xf32, #tpu.memory_space<hbm>>
        tpu.wait_dma2 semaphore(%arg15 : memref<!tpu.dma_semaphore, #tpu.memory_space<semaphore_mem>>) src(%arg8 : memref<4x2048xf32, #tpu.memory_space<vmem>>) dst(%dma_wait3A_133 : memref<4x2048xf32, #tpu.memory_space<hbm>>)
        %add3A_134 = arith.constant 7680 : i32
        %add3A_135 = arith.addi %add3A_134, %add3A_127 : i32
        %dma_wait3A_136 = arith.constant 2048 : i32
        %dma_wait3A_137 = tpu.memref_slice %arg4[%add3A_135, %dma_wait3A_136] : memref<15360x4096xf32, #tpu.memory_space<hbm>> -> memref<4x2048xf32, #tpu.memory_space<hbm>>
        %dma_wait3A_138 = arith.constant 2048 : i32
        %dma_wait3A_139 = tpu.memref_slice %arg4[%add3A_135, %dma_wait3A_138] : memref<15360x4096xf32, #tpu.memory_space<hbm>> -> memref<4x2048xf32, #tpu.memory_space<hbm>>
        tpu.wait_dma2 semaphore(%arg15 : memref<!tpu.dma_semaphore, #tpu.memory_space<semaphore_mem>>) src(%arg10 : memref<4x2048xf32, #tpu.memory_space<vmem>>) dst(%dma_wait3A_139 : memref<4x2048xf32, #tpu.memory_space<hbm>>)
      } else {
      }
      %add3A_90 = arith.constant 7680 : i32
      %add3A_91 = arith.addi %add3A_90, %mul3A_2 : i32
      %mul3A_92 = arith.constant 4 : i32
      %mul3A_93 = arith.muli %scan3A_50, %mul3A_92 : i32
      %add3A_94 = arith.addi %add3A_91, %mul3A_93 : i32
      %dma_wait3A_95 = arith.constant 0 : i32
      %dma_wait3A_96 = tpu.memref_slice %arg2[%add3A_94, %dma_wait3A_95] : memref<15360x6611xf32, #tpu.memory_space<hbm>> -> memref<4x6611xf32, #tpu.memory_space<hbm>>
      %dma_wait3A_97 = arith.constant 0 : i32
      %dma_wait3A_98 = tpu.memref_slice %arg2[%add3A_94, %dma_wait3A_97] : memref<15360x6611xf32, #tpu.memory_space<hbm>> -> memref<4x6611xf32, #tpu.memory_space<hbm>>
      tpu.wait_dma2 semaphore(%arg13 : memref<!tpu.dma_semaphore, #tpu.memory_space<semaphore_mem>>) src(%dma_wait3A_98 : memref<4x6611xf32, #tpu.memory_space<hbm>>) dst(%arg6 : memref<4x6611xf32, #tpu.memory_space<vmem>>)
      %parallel_loop3A_99 = arith.constant 0 : i32
      %parallel_loop3A_100 = arith.constant 128 : i32
      %parallel_loop3A_101 = arith.constant 1 : i32
      scf.for %parallel_loop3A_124 = %parallel_loop3A_99 to %parallel_loop3A_100 step %parallel_loop3A_101  : i32 {
        %parallel_loop3A_125 = arith.constant 16 : i32
        %parallel_loop3A_126 = arith.muli %parallel_loop3A_124, %parallel_loop3A_125 : i32
        %parallel_loop3A_127 = arith.constant 0 : i32
        %parallel_loop3A_128 = arith.index_cast %parallel_loop3A_127 : i32 to index
        %parallel_loop3A_129 = arith.index_cast %parallel_loop3A_126 : i32 to index
        %parallel_loop3A_130 = tpu.vector_load %arg11[%parallel_loop3A_128, %parallel_loop3A_129] {strides = array<i32>} : memref<2x2048xi32, #tpu.memory_space<vmem>>, vector<16xi32>,
        %parallel_loop3A_131 = arith.constant 0 : i32
        %parallel_loop3A_132 = vector.broadcast %parallel_loop3A_131 : i32 to vector<16xi32>
        %parallel_loop3A_133 = tpu.vector_load_idx %arg6[%parallel_loop3A_132, %parallel_loop3A_130] : memref<4x6611xf32, #tpu.memory_space<vmem>>[vector<16xi32>, vector<16xi32>], vector<16xf32>,
        %parallel_loop3A_134 = arith.constant 16 : i32
        %parallel_loop3A_135 = arith.muli %parallel_loop3A_124, %parallel_loop3A_134 : i32
        %parallel_loop3A_136 = arith.constant 0 : i32
        %parallel_loop3A_137 = arith.index_cast %parallel_loop3A_136 : i32 to index
        %parallel_loop3A_138 = arith.index_cast %parallel_loop3A_135 : i32 to index
        %parallel_loop3A_139 = tpu.vector_load %arg8[%parallel_loop3A_137, %parallel_loop3A_138] {strides = array<i32>} : memref<4x2048xf32, #tpu.memory_space<vmem>>, vector<16xf32>,
        tpu.vector_store %arg8[%parallel_loop3A_137, %parallel_loop3A_138], %parallel_loop3A_133 {strides = array<i32>} : memref<4x2048xf32, #tpu.memory_space<vmem>>, vector<16xf32>,
        %parallel_loop3A_140 = arith.constant 1 : i32
        %parallel_loop3A_141 = vector.broadcast %parallel_loop3A_140 : i32 to vector<16xi32>
        %parallel_loop3A_142 = tpu.vector_load_idx %arg6[%parallel_loop3A_141, %parallel_loop3A_130] : memref<4x6611xf32, #tpu.memory_space<vmem>>[vector<16xi32>, vector<16xi32>], vector<16xf32>,
        %parallel_loop3A_143 = arith.constant 16 : i32
        %parallel_loop3A_144 = arith.muli %parallel_loop3A_124, %parallel_loop3A_143 : i32
        %parallel_loop3A_145 = arith.constant 1 : i32
        %parallel_loop3A_146 = arith.index_cast %parallel_loop3A_145 : i32 to index
        %parallel_loop3A_147 = arith.index_cast %parallel_loop3A_144 : i32 to index
        %parallel_loop3A_148 = tpu.vector_load %arg8[%parallel_loop3A_146, %parallel_loop3A_147] {strides = array<i32>} : memref<4x2048xf32, #tpu.memory_space<vmem>>, vector<16xf32>,
        tpu.vector_store %arg8[%parallel_loop3A_146, %parallel_loop3A_147], %parallel_loop3A_142 {strides = array<i32>} : memref<4x2048xf32, #tpu.memory_space<vmem>>, vector<16xf32>,
        %parallel_loop3A_149 = arith.constant 2 : i32
        %parallel_loop3A_150 = vector.broadcast %parallel_loop3A_149 : i32 to vector<16xi32>
        %parallel_loop3A_151 = tpu.vector_load_idx %arg6[%parallel_loop3A_150, %parallel_loop3A_130] : memref<4x6611xf32, #tpu.memory_space<vmem>>[vector<16xi32>, vector<16xi32>], vector<16xf32>,
        %parallel_loop3A_152 = arith.constant 16 : i32
        %parallel_loop3A_153 = arith.muli %parallel_loop3A_124, %parallel_loop3A_152 : i32
        %parallel_loop3A_154 = arith.constant 2 : i32
        %parallel_loop3A_155 = arith.index_cast %parallel_loop3A_154 : i32 to index
        %parallel_loop3A_156 = arith.index_cast %parallel_loop3A_153 : i32 to index
        %parallel_loop3A_157 = tpu.vector_load %arg8[%parallel_loop3A_155, %parallel_loop3A_156] {strides = array<i32>} : memref<4x2048xf32, #tpu.memory_space<vmem>>, vector<16xf32>,
        tpu.vector_store %arg8[%parallel_loop3A_155, %parallel_loop3A_156], %parallel_loop3A_151 {strides = array<i32>} : memref<4x2048xf32, #tpu.memory_space<vmem>>, vector<16xf32>,
        %parallel_loop3A_158 = arith.constant 3 : i32
        %parallel_loop3A_159 = vector.broadcast %parallel_loop3A_158 : i32 to vector<16xi32>
        %parallel_loop3A_160 = tpu.vector_load_idx %arg6[%parallel_loop3A_159, %parallel_loop3A_130] : memref<4x6611xf32, #tpu.memory_space<vmem>>[vector<16xi32>, vector<16xi32>], vector<16xf32>,
        %parallel_loop3A_161 = arith.constant 16 : i32
        %parallel_loop3A_162 = arith.muli %parallel_loop3A_124, %parallel_loop3A_161 : i32
        %parallel_loop3A_163 = arith.constant 3 : i32
        %parallel_loop3A_164 = arith.index_cast %parallel_loop3A_163 : i32 to index
        %parallel_loop3A_165 = arith.index_cast %parallel_loop3A_162 : i32 to index
        %parallel_loop3A_166 = tpu.vector_load %arg8[%parallel_loop3A_164, %parallel_loop3A_165] {strides = array<i32>} : memref<4x2048xf32, #tpu.memory_space<vmem>>, vector<16xf32>,
        tpu.vector_store %arg8[%parallel_loop3A_164, %parallel_loop3A_165], %parallel_loop3A_160 {strides = array<i32>} : memref<4x2048xf32, #tpu.memory_space<vmem>>, vector<16xf32>,
        %parallel_loop3A_167 = arith.constant 16 : i32
        %parallel_loop3A_168 = arith.muli %parallel_loop3A_124, %parallel_loop3A_167 : i32
        %parallel_loop3A_169 = arith.constant 1 : i32
        %parallel_loop3A_170 = arith.index_cast %parallel_loop3A_169 : i32 to index
        %parallel_loop3A_171 = arith.index_cast %parallel_loop3A_168 : i32 to index
        %parallel_loop3A_172 = tpu.vector_load %arg11[%parallel_loop3A_170, %parallel_loop3A_171] {strides = array<i32>} : memref<2x2048xi32, #tpu.memory_space<vmem>>, vector<16xi32>,
        %parallel_loop3A_173 = arith.constant 0 : i32
        %parallel_loop3A_174 = vector.broadcast %parallel_loop3A_173 : i32 to vector<16xi32>
        %parallel_loop3A_175 = tpu.vector_load_idx %arg6[%parallel_loop3A_174, %parallel_loop3A_172] : memref<4x6611xf32, #tpu.memory_space<vmem>>[vector<16xi32>, vector<16xi32>], vector<16xf32>,
        %parallel_loop3A_176 = arith.constant 16 : i32
        %parallel_loop3A_177 = arith.muli %parallel_loop3A_124, %parallel_loop3A_176 : i32
        %parallel_loop3A_178 = arith.constant 0 : i32
        %parallel_loop3A_179 = arith.index_cast %parallel_loop3A_178 : i32 to index
        %parallel_loop3A_180 = arith.index_cast %parallel_loop3A_177 : i32 to index
        %parallel_loop3A_181 = tpu.vector_load %arg10[%parallel_loop3A_179, %parallel_loop3A_180] {strides = array<i32>} : memref<4x2048xf32, #tpu.memory_space<vmem>>, vector<16xf32>,
        tpu.vector_store %arg10[%parallel_loop3A_179, %parallel_loop3A_180], %parallel_loop3A_175 {strides = array<i32>} : memref<4x2048xf32, #tpu.memory_space<vmem>>, vector<16xf32>,
        %parallel_loop3A_182 = arith.constant 1 : i32
        %parallel_loop3A_183 = vector.broadcast %parallel_loop3A_182 : i32 to vector<16xi32>
        %parallel_loop3A_184 = tpu.vector_load_idx %arg6[%parallel_loop3A_183, %parallel_loop3A_172] : memref<4x6611xf32, #tpu.memory_space<vmem>>[vector<16xi32>, vector<16xi32>], vector<16xf32>,
        %parallel_loop3A_185 = arith.constant 16 : i32
        %parallel_loop3A_186 = arith.muli %parallel_loop3A_124, %parallel_loop3A_185 : i32
        %parallel_loop3A_187 = arith.constant 1 : i32
        %parallel_loop3A_188 = arith.index_cast %parallel_loop3A_187 : i32 to index
        %parallel_loop3A_189 = arith.index_cast %parallel_loop3A_186 : i32 to index
        %parallel_loop3A_190 = tpu.vector_load %arg10[%parallel_loop3A_188, %parallel_loop3A_189] {strides = array<i32>} : memref<4x2048xf32, #tpu.memory_space<vmem>>, vector<16xf32>,
        tpu.vector_store %arg10[%parallel_loop3A_188, %parallel_loop3A_189], %parallel_loop3A_184 {strides = array<i32>} : memref<4x2048xf32, #tpu.memory_space<vmem>>, vector<16xf32>,
        %parallel_loop3A_191 = arith.constant 2 : i32
        %parallel_loop3A_192 = vector.broadcast %parallel_loop3A_191 : i32 to vector<16xi32>
        %parallel_loop3A_193 = tpu.vector_load_idx %arg6[%parallel_loop3A_192, %parallel_loop3A_172] : memref<4x6611xf32, #tpu.memory_space<vmem>>[vector<16xi32>, vector<16xi32>], vector<16xf32>,
        %parallel_loop3A_194 = arith.constant 16 : i32
        %parallel_loop3A_195 = arith.muli %parallel_loop3A_124, %parallel_loop3A_194 : i32
        %parallel_loop3A_196 = arith.constant 2 : i32
        %parallel_loop3A_197 = arith.index_cast %parallel_loop3A_196 : i32 to index
        %parallel_loop3A_198 = arith.index_cast %parallel_loop3A_195 : i32 to index
        %parallel_loop3A_199 = tpu.vector_load %arg10[%parallel_loop3A_197, %parallel_loop3A_198] {strides = array<i32>} : memref<4x2048xf32, #tpu.memory_space<vmem>>, vector<16xf32>,
        tpu.vector_store %arg10[%parallel_loop3A_197, %parallel_loop3A_198], %parallel_loop3A_193 {strides = array<i32>} : memref<4x2048xf32, #tpu.memory_space<vmem>>, vector<16xf32>,
        %parallel_loop3A_200 = arith.constant 3 : i32
        %parallel_loop3A_201 = vector.broadcast %parallel_loop3A_200 : i32 to vector<16xi32>
        %parallel_loop3A_202 = tpu.vector_load_idx %arg6[%parallel_loop3A_201, %parallel_loop3A_172] : memref<4x6611xf32, #tpu.memory_space<vmem>>[vector<16xi32>, vector<16xi32>], vector<16xf32>,
        %parallel_loop3A_203 = arith.constant 16 : i32
        %parallel_loop3A_204 = arith.muli %parallel_loop3A_124, %parallel_loop3A_203 : i32
        %parallel_loop3A_205 = arith.constant 3 : i32
        %parallel_loop3A_206 = arith.index_cast %parallel_loop3A_205 : i32 to index
        %parallel_loop3A_207 = arith.index_cast %parallel_loop3A_204 : i32 to index
        %parallel_loop3A_208 = tpu.vector_load %arg10[%parallel_loop3A_206, %parallel_loop3A_207] {strides = array<i32>} : memref<4x2048xf32, #tpu.memory_space<vmem>>, vector<16xf32>,
        tpu.vector_store %arg10[%parallel_loop3A_206, %parallel_loop3A_207], %parallel_loop3A_202 {strides = array<i32>} : memref<4x2048xf32, #tpu.memory_space<vmem>>, vector<16xf32>,
      } {sc.loop_unroll_factor = 4 : i64, sc.parallel_access}
      %add3A_102 = arith.constant 1 : i32
      %add3A_103 = arith.addi %scan3A_50, %add3A_102 : i32
      %lt3A_104 = arith.constant 60 : i32
      %lt3A_105 = arith.cmpi slt, %add3A_103, %lt3A_104 : i32
      %convert_element_type3A_106 = arith.extui %lt3A_105 : i1 to i32
      %cond3A_107 = arith.constant 0 : i32
      %cond3A_108 = arith.cmpi ne, %convert_element_type3A_106, %cond3A_107 : i32
      scf.if %cond3A_108 {
        %add3A_124 = arith.constant 1 : i32
        %add3A_125 = arith.addi %scan3A_50, %add3A_124 : i32
        %add3A_126 = arith.constant 7680 : i32
        %add3A_127 = arith.addi %add3A_126, %mul3A_2 : i32
        %mul3A_128 = arith.constant 4 : i32
        %mul3A_129 = arith.muli %add3A_125, %mul3A_128 : i32
        %add3A_130 = arith.addi %add3A_127, %mul3A_129 : i32
        %dma_start3A_131 = arith.constant 0 : i32
        %dma_start3A_132 = tpu.memref_slice %arg2[%add3A_130, %dma_start3A_131] : memref<15360x6611xf32, #tpu.memory_space<hbm>> -> memref<4x6611xf32, #tpu.memory_space<hbm>>
        %dma_start3A_133 = arith.constant 0 : i32
        %dma_start3A_134 = tpu.memref_slice %arg2[%add3A_130, %dma_start3A_133] : memref<15360x6611xf32, #tpu.memory_space<hbm>> -> memref<4x6611xf32, #tpu.memory_space<hbm>>
        tpu.enqueue_dma source(%dma_start3A_134 : memref<4x6611xf32, #tpu.memory_space<hbm>>) target(%arg6 : memref<4x6611xf32, #tpu.memory_space<vmem>>) target_semaphore(%arg13 : memref<!tpu.dma_semaphore, #tpu.memory_space<semaphore_mem>>)
      } else {
      }
      %mul3A_109 = arith.constant 4 : i32
      %mul3A_110 = arith.muli %scan3A_50, %mul3A_109 : i32
      %add3A_111 = arith.addi %mul3A_2, %mul3A_110 : i32
      %add3A_112 = arith.constant 0 : i32
      %add3A_113 = arith.addi %add3A_112, %add3A_111 : i32
      %dma_start3A_114 = arith.constant 2048 : i32
      %dma_start3A_115 = tpu.memref_slice %arg4[%add3A_113, %dma_start3A_114] : memref<15360x4096xf32, #tpu.memory_space<hbm>> -> memref<4x2048xf32, #tpu.memory_space<hbm>>
      %dma_start3A_116 = arith.constant 2048 : i32
      %dma_start3A_117 = tpu.memref_slice %arg4[%add3A_113, %dma_start3A_116] : memref<15360x4096xf32, #tpu.memory_space<hbm>> -> memref<4x2048xf32, #tpu.memory_space<hbm>>
      tpu.enqueue_dma source(%arg8 : memref<4x2048xf32, #tpu.memory_space<vmem>>) target(%dma_start3A_117 : memref<4x2048xf32, #tpu.memory_space<hbm>>) target_semaphore(%arg15 : memref<!tpu.dma_semaphore, #tpu.memory_space<semaphore_mem>>)
      %add3A_118 = arith.constant 7680 : i32
      %add3A_119 = arith.addi %add3A_118, %add3A_111 : i32
      %dma_start3A_120 = arith.constant 2048 : i32
      %dma_start3A_121 = tpu.memref_slice %arg4[%add3A_119, %dma_start3A_120] : memref<15360x4096xf32, #tpu.memory_space<hbm>> -> memref<4x2048xf32, #tpu.memory_space<hbm>>
      %dma_start3A_122 = arith.constant 2048 : i32
      %dma_start3A_123 = tpu.memref_slice %arg4[%add3A_119, %dma_start3A_122] : memref<15360x4096xf32, #tpu.memory_space<hbm>> -> memref<4x2048xf32, #tpu.memory_space<hbm>>
      tpu.enqueue_dma source(%arg10 : memref<4x2048xf32, #tpu.memory_space<vmem>>) target(%dma_start3A_123 : memref<4x2048xf32, #tpu.memory_space<hbm>>) target_semaphore(%arg15 : memref<!tpu.dma_semaphore, #tpu.memory_space<semaphore_mem>>)
    }
    %scan3A_22 = arith.constant 60 : i32
    %add3A_23 = arith.constant 236 : i32
    %add3A_24 = arith.addi %mul3A_2, %add3A_23 : i32
    %add3A_25 = arith.constant 0 : i32
    %add3A_26 = arith.addi %add3A_25, %add3A_24 : i32
    %dma_wait3A = arith.constant 0 : i32
    %dma_wait3A_27 = tpu.memref_slice %arg4[%add3A_26, %dma_wait3A] : memref<15360x4096xf32, #tpu.memory_space<hbm>> -> memref<4x2048xf32, #tpu.memory_space<hbm>>
    %dma_wait3A_28 = arith.constant 0 : i32
    %dma_wait3A_29 = tpu.memref_slice %arg4[%add3A_26, %dma_wait3A_28] : memref<15360x4096xf32, #tpu.memory_space<hbm>> -> memref<4x2048xf32, #tpu.memory_space<hbm>>
    tpu.wait_dma2 semaphore(%arg14 : memref<!tpu.dma_semaphore, #tpu.memory_space<semaphore_mem>>) src(%arg7 : memref<4x2048xf32, #tpu.memory_space<vmem>>) dst(%dma_wait3A_29 : memref<4x2048xf32, #tpu.memory_space<hbm>>)
    %add3A_30 = arith.constant 7680 : i32
    %add3A_31 = arith.addi %add3A_30, %add3A_24 : i32
    %dma_wait3A_32 = arith.constant 0 : i32
    %dma_wait3A_33 = tpu.memref_slice %arg4[%add3A_31, %dma_wait3A_32] : memref<15360x4096xf32, #tpu.memory_space<hbm>> -> memref<4x2048xf32, #tpu.memory_space<hbm>>
    %dma_wait3A_34 = arith.constant 0 : i32
    %dma_wait3A_35 = tpu.memref_slice %arg4[%add3A_31, %dma_wait3A_34] : memref<15360x4096xf32, #tpu.memory_space<hbm>> -> memref<4x2048xf32, #tpu.memory_space<hbm>>
    tpu.wait_dma2 semaphore(%arg14 : memref<!tpu.dma_semaphore, #tpu.memory_space<semaphore_mem>>) src(%arg9 : memref<4x2048xf32, #tpu.memory_space<vmem>>) dst(%dma_wait3A_35 : memref<4x2048xf32, #tpu.memory_space<hbm>>)
    %add3A_36 = arith.constant 236 : i32
    %add3A_37 = arith.addi %mul3A_2, %add3A_36 : i32
    %add3A_38 = arith.constant 0 : i32
    %add3A_39 = arith.addi %add3A_38, %add3A_37 : i32
    %dma_wait3A_40 = arith.constant 2048 : i32
    %dma_wait3A_41 = tpu.memref_slice %arg4[%add3A_39, %dma_wait3A_40] : memref<15360x4096xf32, #tpu.memory_space<hbm>> -> memref<4x2048xf32, #tpu.memory_space<hbm>>
    %dma_wait3A_42 = arith.constant 2048 : i32
    %dma_wait3A_43 = tpu.memref_slice %arg4[%add3A_39, %dma_wait3A_42] : memref<15360x4096xf32, #tpu.memory_space<hbm>> -> memref<4x2048xf32, #tpu.memory_space<hbm>>
    tpu.wait_dma2 semaphore(%arg15 : memref<!tpu.dma_semaphore, #tpu.memory_space<semaphore_mem>>) src(%arg8 : memref<4x2048xf32, #tpu.memory_space<vmem>>) dst(%dma_wait3A_43 : memref<4x2048xf32, #tpu.memory_space<hbm>>)
    %add3A_44 = arith.constant 7680 : i32
    %add3A_45 = arith.addi %add3A_44, %add3A_37 : i32
    %dma_wait3A_46 = arith.constant 2048 : i32
    %dma_wait3A_47 = tpu.memref_slice %arg4[%add3A_45, %dma_wait3A_46] : memref<15360x4096xf32, #tpu.memory_space<hbm>> -> memref<4x2048xf32, #tpu.memory_space<hbm>>
    %dma_wait3A_48 = arith.constant 2048 : i32
    %dma_wait3A_49 = tpu.memref_slice %arg4[%add3A_45, %dma_wait3A_48] : memref<15360x4096xf32, #tpu.memory_space<hbm>> -> memref<4x2048xf32, #tpu.memory_space<hbm>>
    tpu.wait_dma2 semaphore(%arg15 : memref<!tpu.dma_semaphore, #tpu.memory_space<semaphore_mem>>) src(%arg10 : memref<4x2048xf32, #tpu.memory_space<vmem>>) dst(%dma_wait3A_49 : memref<4x2048xf32, #tpu.memory_space<hbm>>)
    return
  }
}

module attributes {stable_mosaic.version = 14 : i64} {
  func.func @_topk_body(%arg0: i32, %arg1: memref<256x768xf32, #tpu.memory_space<vmem>>, %arg2: memref<6656x768xf32, #tpu.memory_space<vmem>>, %arg3: memref<256x1xf32, #tpu.memory_space<vmem>>, %arg4: memref<256x1xi32, #tpu.memory_space<vmem>>) attributes {dimension_semantics = [#tpu.dimension_semantics<arbitrary>], iteration_bounds = array<i64: 16>, scalar_prefetch = 0 : i64, scratch_operands = 0 : i64, tpu.core_type = #tpu.core_type<tc>, window_params = [{transform_indices = @transform_0, window_bounds = array<i64: 256, 768>}, {transform_indices = @transform_1, window_bounds = array<i64: 6656, 768>}, {transform_indices = @transform_2, window_bounds = array<i64: 256, 1>}, {transform_indices = @transform_3, window_bounds = array<i64: 256, 1>}]} {
    %get3A = arith.constant 0 : index
    %get3A_0 = arith.constant 0 : index
    %get3A_1 = vector.load %arg1[%get3A, %get3A_0] : memref<256x768xf32, #tpu.memory_space<vmem>>, vector<256x768xf32>
    %mul3A = arith.mulf %get3A_1, %get3A_1 : vector<256x768xf32>
    %reduce_sum3A = arith.constant dense<0.000000e+00> : vector<256xf32>
    %reduce_sum3A_2 = vector.multi_reduction <add>, %mul3A, %reduce_sum3A [1] : vector<256x768xf32> to vector<256xf32>
    %broadcast_in_dim3A = vector.shape_cast %reduce_sum3A_2 : vector<256xf32> to vector<256x1xf32>
    %max3A = arith.constant 9.99999996E-13 : f32
    %max3A_3 = vector.broadcast %max3A : f32 to vector<256x1xf32>
    %max3A_4 = arith.maximumf %broadcast_in_dim3A, %max3A_3 : vector<256x1xf32>
    %rsqrt3A = math.rsqrt %max3A_4 : vector<256x1xf32>
    %mul3A_5 = vector.broadcast %rsqrt3A : vector<256x1xf32> to vector<256x768xf32>
    %mul3A_6 = arith.mulf %get3A_1, %mul3A_5 : vector<256x768xf32>
    %get3A_7 = arith.constant 0 : index
    %get3A_8 = arith.constant 0 : index
    %get3A_9 = vector.load %arg2[%get3A_7, %get3A_8] : memref<6656x768xf32, #tpu.memory_space<vmem>>, vector<6656x768xf32>
    %mul3A_10 = arith.mulf %get3A_9, %get3A_9 : vector<6656x768xf32>
    %reduce_sum3A_11 = arith.constant dense<0.000000e+00> : vector<6656xf32>
    %reduce_sum3A_12 = vector.multi_reduction <add>, %mul3A_10, %reduce_sum3A_11 [1] : vector<6656x768xf32> to vector<6656xf32>
    %broadcast_in_dim3A_13 = vector.shape_cast %reduce_sum3A_12 : vector<6656xf32> to vector<6656x1xf32>
    %max3A_14 = arith.constant 9.99999996E-13 : f32
    %max3A_15 = vector.broadcast %max3A_14 : f32 to vector<6656x1xf32>
    %max3A_16 = arith.maximumf %broadcast_in_dim3A_13, %max3A_15 : vector<6656x1xf32>
    %rsqrt3A_17 = math.rsqrt %max3A_16 : vector<6656x1xf32>
    %mul3A_18 = vector.broadcast %rsqrt3A_17 : vector<6656x1xf32> to vector<6656x768xf32>
    %mul3A_19 = arith.mulf %get3A_9, %mul3A_18 : vector<6656x768xf32>
    %dot_general3A = arith.constant dense<0.000000e+00> : vector<256x6656xf32>
    %dot_general3A_20 = tpu.matmul %mul3A_6, %mul3A_19, %dot_general3A {dimension_numbers = #tpu.dot_dimension_numbers<[1], [1], [0], [0], [0, 0, 1, 0], [], []>, transpose_lhs_hint = false} : vector<256x768xf32>, vector<6656x768xf32>, vector<256x6656xf32> -> vector<256x6656xf32>
    %iota3A = tpu.iota {dimensions = array<i32: 1>} : vector<256x6656xi32>
    %lt3A = arith.constant 6611 : i32
    %lt3A_21 = vector.broadcast %lt3A : i32 to vector<256x6656xi32>
    %lt3A_22 = arith.cmpi slt, %iota3A, %lt3A_21 : vector<256x6656xi32>
    %jit3A = arith.constant 0xFF800000 : f32
    %broadcast_in_dim3A_23 = vector.broadcast %jit3A : f32 to vector<256x6656xf32>
    %select_n3A = arith.select %lt3A_22, %dot_general3A_20, %broadcast_in_dim3A_23 : vector<256x6656xi1>, vector<256x6656xf32>
    %reduce_max3A = arith.constant dense<0xFF800000> : vector<256xf32>
    %reduce_max3A_24 = vector.multi_reduction <maximumf>, %select_n3A, %reduce_max3A [1] : vector<256x6656xf32> to vector<256xf32>
    %broadcast_in_dim3A_25 = vector.shape_cast %reduce_max3A_24 : vector<256xf32> to vector<256x1xf32>
    %eq3A = vector.broadcast %broadcast_in_dim3A_25 : vector<256x1xf32> to vector<256x6656xf32>
    %eq3A_26 = arith.cmpf oeq, %select_n3A, %eq3A : vector<256x6656xf32>
    %jit3A_27 = arith.constant 6656 : i32
    %broadcast_in_dim3A_28 = vector.broadcast %jit3A_27 : i32 to vector<256x6656xi32>
    %select_n3A_29 = arith.select %eq3A_26, %iota3A, %broadcast_in_dim3A_28 : vector<256x6656xi1>, vector<256x6656xi32>
    %reduce_min3A = arith.constant dense<2147483647> : vector<256xi32>
    %reduce_min3A_30 = vector.multi_reduction <minsi>, %select_n3A_29, %reduce_min3A [1] : vector<256x6656xi32> to vector<256xi32>
    %broadcast_in_dim3A_31 = vector.shape_cast %reduce_min3A_30 : vector<256xi32> to vector<256x1xi32>
    %swap3A = arith.constant 0 : index
    %swap3A_32 = arith.constant 0 : index
    %swap3A_33 = vector.load %arg3[%swap3A, %swap3A_32] : memref<256x1xf32, #tpu.memory_space<vmem>>, vector<256x1xf32>
    tpu.vector_store %arg3[%swap3A, %swap3A_32], %broadcast_in_dim3A_25 {strides = array<i32>} : memref<256x1xf32, #tpu.memory_space<vmem>>, vector<256x1xf32>,
    %swap3A_34 = arith.constant 0 : index
    %swap3A_35 = arith.constant 0 : index
    %swap3A_36 = vector.load %arg4[%swap3A_34, %swap3A_35] : memref<256x1xi32, #tpu.memory_space<vmem>>, vector<256x1xi32>
    tpu.vector_store %arg4[%swap3A_34, %swap3A_35], %broadcast_in_dim3A_31 {strides = array<i32>} : memref<256x1xi32, #tpu.memory_space<vmem>>, vector<256x1xi32>,
    return
  }
  func.func @transform_0(%arg0: i32) -> (i32, i32) {
    %c0_i32 = arith.constant 0 : i32
    %c0_i32_0 = arith.constant 0 : i32
    return %arg0, %c0_i32 : i32, i32
  }
  func.func @transform_1(%arg0: i32) -> (i32, i32) {
    %c0_i32 = arith.constant 0 : i32
    %c0_i32_0 = arith.constant 0 : i32
    %c0_i32_1 = arith.constant 0 : i32
    return %c0_i32, %c0_i32_0 : i32, i32
  }
  func.func @transform_2(%arg0: i32) -> (i32, i32) {
    %c0_i32 = arith.constant 0 : i32
    %c0_i32_0 = arith.constant 0 : i32
    return %arg0, %c0_i32 : i32, i32
  }
  func.func @transform_3(%arg0: i32) -> (i32, i32) {
    %c0_i32 = arith.constant 0 : i32
    %c0_i32_0 = arith.constant 0 : i32
    return %arg0, %c0_i32 : i32, i32
  }
}

</mosaic_0001>

<sc_bundles>
// kernel: kernel.4.cloned.1.call-start
scs
__scs_entry_jumppad:
0x0: {  	(pc) =	sbr.rel $0x88, $3  }
0x1: {  	(tag) =	ssettag $0x0;
	lr =	simm.s32 $0x1  }
0x2: {  	[smem:$0x3F9E] =	sst lr;
	_ =	strace $0xD0000000  }
0x3: {  	_ = 	snop  }
0x4: {  	_ = 	snop  }
0x5: {  	_ = 	snop  }
0x6: {  	_ = 	snop  }
0x7: {  	_ = 	snop  }
__scs_overlays_trampoline_lowered:
0x8: {  	[smem:$0x3FAD] =	sst s0  }
0x9: {  	[smem:$0x3FAE] =	sst s1  }
0xa: {  	[smem:$0x3FAF] =	sst s2  }
0xb: {  	[smem:$0x3FB0] =	sst s3  }
0xc: {  	[smem:$0x3FB1] =	sst s4  }
0xd: {  	[smem:$0x3FB2] =	sst s5  }
0xe: {  	[smem:$0x3FB3] =	sst s6  }
0xf: {  	[smem:$0x3FB4] =	sst s7  }
0x10: {  	[smem:$0x3FB5] =	sst s8  }
0x11: {  	[smem:$0x3FB6] =	sst s9;
	s0 =	simm.s32 @!p0 $0x0  }
0x12: {  	s1 =	sld [smem:$0x3F9C];
	s0 =	simm.s32 @p0 $0x1  }
0x13: {  	[smem:$0x3FB7] =	sst s0;
	s0 =	simm.s32 @!p1 $0x0  }
0x14: {  	s2 =	sld [smem:$0x3F9B];
	s0 =	simm.s32 @p1 $0x1  }
0x15: {  	[smem:$0x3FB8] =	sst s0;
	s0 =	simm.s32 @!p2 $0x0  }
0x16: {  	s3 =	sld [smem:$0x3FDB];
	s0 =	simm.s32 @p2 $0x1  }
0x17: {  	s4 =	simm.s32 $0x1BF5;
	[smem:$0x3FBA] =	sst s0  }
0x18: {  	s0 =	sld [smem:$0x3F9D];
	_ =	swait.ge [sflag:s4], $0x0  }
0x19: {  	s7 =	sld [smem:$0x3F9E]  }
0x1a: {  	s8 =	sadd.s32 $0xFFFFE003, lr  }
0x1b: {  	s9 =	sadd.s32 $0xFFFFFEF7, lr;
	s5 =	simm.s32 $0xFFFFFFFF;
	p2 =	slt.u32 s8, $0xFFFFF086  }
0x1c: {  	p1 =	slt.u32 s9, $0xF7A;
	s5 =	simm.s32 @!p2 $0x0  }
0x1d: {  	s5 =	simm.s32 @p1 $0x1;
	p0 =	seq.s32 s7, s2  }
0x1e: {  	s7 =	smul.u32 @!p0 $0xF7A, s2;
	p2 =	seq.s32 @!p0 s5, $0x0  }
0x1f: {  	s9 =	smul.u32 $0xF7A, s1;
	s8 =	simm.s32 @!p0 $0x1BF5;
	p2 =	por !p2, p0  }
0x20: {  	[sflag:s8] =	ssyncset.s32 @!p0 $0xFFFFF086;
	s6 =	sadd.s32 @!p0 s3, s7;
	s7 =	simm.s32 @!p0 $0x108  }
0x21: {  	s3 =	sadd.s32 s3, s9;
	s6 =	sadd.s32 @!p0 $0x88, s6;
	s7 =	simm.s32 @p2 $0x1082  }
0x22: {  	[simem:s7], [sflag:s8] =	dma.local @!p0 [hbm:s6], $0xF7A  }
0x23: {  	s9 =	sor.u32 $0xD0000000, s2;
	s6 =	simm.s32 $0x108;
	_ =	swait.ge @!p0 [sflag:s8], $0x0  }
0x24: {  	s3 =	sadd.s32 $0x88, s3;
	s6 =	simm.s32 @!p1 $0x1082;
	[sflag:s4] =	ssyncset.s32 $0xFFFFF086  }
0x25: {  	[simem:s6], [sflag:s4] =	dma.local [hbm:s3], $0xF7A  }
0x26: {  	[smem:$0x3F9E] =	sst s1;
	(tag) =	ssettag s2;
	_ =	strace s9  }
0x27: {  	s1 =	sld [smem:$0x3FAE]  }
0x28: {  	s2 =	sld [smem:$0x3FAF]  }
0x29: {  	s4 =	sld [smem:$0x3FB1]  }
0x2a: {  	p0 =	seq.s32 s5, $0x0;
	s5 =	sld [smem:$0x3FB2]  }
0x2b: {  	s6 =	sld [smem:$0x3FB3]  }
0x2c: {  	s7 =	sld [smem:$0x3FB4]  }
0x2d: {  	s3 =	simm.s32 $0x108;
	s8 =	sld [smem:$0x3FB5]  }
0x2e: {  	s3 =	simm.s32 @!p0 $0x1082;
	s9 =	sld [smem:$0x3FB6]  }
0x2f: {  	lr =	sadd.s32 s0, s3;
	s0 =	sld [smem:$0x3FAD]  }
0x30: {  	s3 =	sld [smem:$0x3FB0]  }
0x31: {  	[smem:$0x3FB9] =	sst s10  }
0x32: {  	s10 =	sld [smem:$0x3FB7];
	_ =	sdelay $0x3  }
0x33: {  	p0 =	seq.s32 s10, $0x1;
	s10 =	sld [smem:$0x3FB9];
	_ =	sdelay $0x3  }
0x34: {  	[smem:$0x3FB9] =	sst s10  }
0x35: {  	s10 =	sld [smem:$0x3FB8];
	_ =	sdelay $0x3  }
0x36: {  	p1 =	seq.s32 s10, $0x1;
	s10 =	sld [smem:$0x3FB9];
	_ =	sdelay $0x3  }
0x37: {  	[smem:$0x3FB9] =	sst s10  }
0x38: {  	s10 =	sld [smem:$0x3FBA]  }
0x39: {  	_ = 	snop;
	(pc) =	sbr.ind lr, $3  }
0x3a: {  	_ = 	snop  }
0x3b: {  	_ = 	snop  }
0x3c: {  	p2 =	seq.s32 s10, $0x1;
	s10 =	sld [smem:$0x3FB9]  }
0x3d: {  	_ =	shalt  }
0x3e: {  	_ =	shalt  }
0x3f: {  	_ =	shalt  }
0x40: {  	_ =	shalt  }
0x41: {  	_ =	shalt  }
0x42: {  	_ =	shalt  }
0x43: {  	_ =	shalt  }
0x44: {  	_ =	shalt  }
0x45: {  	_ =	shalt  }
0x46: {  	_ =	shalt  }
0x47: {  	_ =	shalt  }
0x48: {  	_ =	shalt  }
0x49: {  	_ =	shalt  }
0x4a: {  	_ =	shalt  }
0x4b: {  	_ =	shalt  }
0x4c: {  	_ =	shalt  }
0x4d: {  	_ =	shalt  }
0x4e: {  	_ =	shalt  }
0x4f: {  	_ =	shalt  }
0x50: {  	_ =	shalt  }
0x51: {  	_ =	shalt  }
0x52: {  	_ =	shalt  }
0x53: {  	_ =	shalt  }
0x54: {  	_ =	shalt  }
0x55: {  	_ =	shalt  }
0x56: {  	_ =	shalt  }
0x57: {  	_ =	shalt  }
0x58: {  	_ =	shalt  }
0x59: {  	_ =	shalt  }
0x5a: {  	_ =	shalt  }
0x5b: {  	_ =	shalt  }
0x5c: {  	_ =	shalt  }
0x5d: {  	_ =	shalt  }
0x5e: {  	_ =	shalt  }
0x5f: {  	_ =	shalt  }
0x60: {  	_ =	shalt  }
0x61: {  	_ =	shalt  }
0x62: {  	_ =	shalt  }
0x63: {  	_ =	shalt  }
0x64: {  	_ =	shalt  }
0x65: {  	_ =	shalt  }
0x66: {  	_ =	shalt  }
0x67: {  	_ =	shalt  }
0x68: {  	_ =	shalt  }
0x69: {  	_ =	shalt  }
0x6a: {  	_ =	shalt  }
0x6b: {  	_ =	shalt  }
0x6c: {  	_ =	shalt  }
0x6d: {  	_ =	shalt  }
0x6e: {  	_ =	shalt  }
0x6f: {  	_ =	shalt  }
0x70: {  	_ =	shalt  }
0x71: {  	_ =	shalt  }
0x72: {  	_ =	shalt  }
0x73: {  	_ =	shalt  }
0x74: {  	_ =	shalt  }
0x75: {  	_ =	shalt  }
0x76: {  	_ =	shalt  }
0x77: {  	_ =	shalt  }
0x78: {  	_ =	shalt  }
0x79: {  	_ =	shalt  }
0x7a: {  	_ =	shalt  }
0x7b: {  	_ =	shalt  }
0x7c: {  	_ =	shalt  }
0x7d: {  	_ =	shalt  }
0x7e: {  	_ =	shalt  }
0x7f: {  	_ =	shalt  }
0x80: {  	_ =	shalt  }
0x81: {  	_ =	shalt  }
0x82: {  	_ =	shalt  }
0x83: {  	_ =	shalt  }
0x84: {  	_ =	shalt  }
0x85: {  	_ =	shalt  }
0x86: {  	_ =	shalt  }
0x87: {  	_ =	shalt  }
.Lfunc_end0:
.L_simem_size_0:
called_computation_lowered:
.L_overlay_start_0:
0x88: {  	s2 =	sld [smem:$0x3FD9]  }
0x89: {  	s3 =	sld [smem:$0x3FFE];
	_ =	sdelay $0x1  }
0x8a: {  	s1 =	srdreg.scid  }
0x8b: {  	s0 =	sand.u32 $0x1, s1  }
0x8c: {  	s14 =	sshll.u32 s0, $0xA;
	s2 =	sadd.s32 s3, s2  }
0x8d: {  	s2 =	sadd.s32 s2, s14  }
0x8e: {  	[smem:$0x3FC5] =	sst s2  }
0x8f: {  	_ = 	snop  }
0x90: {  	s2 =	sld [smem:$0x3FD0];
	_ =	sdelay $0x2  }
0x91: {  	s4 =	simm.s32 $0xA;
	s5 =	simm.s32 $0x10;
	s15 =	sld [smem:$0x3FC8]  }
0x92: {  	[smem:s5], [sflag:s4] =	dma.local [hbm:s2], $0x1  }
0x93: {  	_ =	swait.eq [sflag:s4], $0x1  }
0x94: {  	[sflag:s4] =	ssyncset.done $0x0  }
0x95: {  	[sflag:s4] =	ssyncadd.s32 $0xFFFFFFFF  }
0x96: {  	s16 =	sld [smem:$0x12];
	(tm) =	ssettm $0x1  }
0x97: {  	s17 =	sld [smem:$0x3FFB];
	_ =	sdelay $0x3  }
0x98: {  	_ =	strace s17  }
0x99: {  	s4 =	sld [smem:$0x3FFC];
	_ =	sdelay $0x3  }
0x9a: {  	_ =	strace s4  }
0x9b: {  	s4 =	sld [smem:$0x3FFD];
	_ =	sdelay $0x3  }
0x9c: {  	_ =	strace s4  }
0x9d: {  	_ =	strace $0x8FFFFFFF  }
0x9e: {  	s18 =	sld [smem:$0x3FDB];
	_ =	sdelay $0x1  }
0x9f: {  	s19 =	simm.s32 $_scs_section_size  }
0xa0: {  	s6 =	simm.s32 $_size__tile_overlayer_lowered;
	s7 =	simm.s32 $_tile_overlayer_lowered  }
0xa1: {  	s22 =	simm.s32 $0x1BFF;
	s21 =	sshll.u32 s7, $0x1;
	s4 =	sadd.s32 s19, s18  }
0xa2: {  	s8 =	simm.s32 $0x0;
	s20 =	sshll.u32 s6, $0x1;
	s6 =	sadd.s32 s21, s4  }
0xa3: {  	[timem:s8], [sflag:s22] =	dma.local [hbm:s6], s20  }
0xa4: {  	_ =	swait.ge [sflag:s22], s20  }
0xa5: {  	s5 =	ssub.s32 $0x0, s20;
	[sflag:s22] =	ssyncset.done $0x0  }
0xa6: {  	[sflag:s22] =	ssyncadd.s32 s5;
	_ =	sdelay $0x1  }
0xa7: {  	s23 =	simm.s32 $0x1B8B  }
0xa8: {  	_ =	swait.ge [sflag:s23], $0x1  }
0xa9: {  	[sflag:s23] =	ssyncset.done $0x0  }
0xaa: {  	s25 =	simm.s32 $0x1B8E;
	s24 =	sld [smem:$0x3FFE];
	[sflag:s23] =	ssyncadd.s32 $0xFFFFFFFF  }
0xab: {  	s26 =	simm.s32 $execute0_lowered;
	[smem:$0x3FD2] =	sst s25  }
0xac: {  	s6 =	sshll.u32 s26, $0x1;
	_ =	strace $0x80000046;
	[dreg:$0x1] =	wrdreg $0xFFFFFFFF  }
0xad: {  	s28 =	simm.s32 $_size_execute0_lowered;
	s4 =	sadd.s32 s4, s6;
	[dreg:$0x0] =	wrdreg $0x0  }
0xae: {  	s6 =	sshll.u32 s28, $0x1;
	[dreg:$0x2] =	wrdreg s4  }
0xaf: {  	[dreg:$0x3] =	wrdreg s6  }
0xb0: {  	[dreg:$0x4] =	wrdreg $0xC0  }
0xb1: {  	_ =	task [dreg:s8], $0x5FFFF  }
0xb2: {  	[dreg:$0x1] =	wrdreg $0xFFFFFFFF  }
0xb3: {  	[dreg:$0x0] =	wrdreg $0x60  }
0xb4: {  	[dreg:$0x2] =	wrdreg s15  }
0xb5: {  	[dreg:$0x3] =	wrdreg s24  }
0xb6: {  	[dreg:$0x4] =	wrdreg s16  }
0xb7: {  	[dreg:$0x5] =	wrdreg $0x9  }
0xb8: {  	_ =	task.clear_ibuf [dreg:s8], $0x6FFFF;
	_ =	strace $0x90000046  }
0xb9: {  	s29 =	simm.s32 $0x9;
	_ =	strace $0x80000048  }
0xba: {  	_ =	swait.ge [sflag:s29], $0x1  }
0xbb: {  	[sflag:s29] =	ssyncadd.s32 $0xFFFFFFFF  }
0xbc: {  	_ =	strace $0x90000048  }
0xbd: {  	_ =	sfence  }
0xbe: {  	s30 =	sld [smem:$0x0];
	_ =	sdelay $0x2  }
0xbf: {  	s31 =	sshll.u32 s1, $0xD;
	s1 =	sshrl.u32 s1, $0x2  }
0xc0: {  	s3 =	sand.u32 $0x4000, s31;
	s1 =	sadd.s32 s1, s30  }
0xc1: {  	s0 =	sor.u32 s3, s0;
	s1 =	sshll.u32 s1, $0x11  }
0xc2: {  	s0 =	sor.u32 s1, s0  }
0xc3: {  	s0 =	sadd.s32 $0x8F2B, s0  }
0xc4: {  	[sflag:s0] =	ssyncadd.remote.s32 $0x1  }
0xc5: {  	_ =	sfence.sel $0xFFFF  }
0xc6: {  	[dreg:$0x0] =	wrdreg $0xFFFFFFFF;
	(pc) =	sbr.abs _section_cstart, $3  }
0xc7: {  	[dreg:$0x1] =	wrdreg $0xFFFFFFFF  }
0xc8: {  	_ =	task.clear_ibuf [dreg:s8], $0x2FFFF;
	_ =	strace $0x9FFFFFFF  }
0xc9: {  	(tm) =	ssettm $0x7FFFFFFF  }
tec
execute0_lowered:
.L_overlay_start_1:
0x0: {  	(tag) =	ssettag $0x1  }
0x1: {  	s0 =	srdreg.scid  }
0x2: {  	s1 =	stileid.u32;
	s14 =	rddreg [dreg:$0x0]  }
0x3: {  	s2 =	rddreg [dreg:$0x1];
	s0 =	sand.u32 $0x1, s0;
	s1 =	sshll.u32 s1, $0x1  }
0x4: {  	s3 =	rddreg [dreg:$0x2];
	s5 =	simm.s32 $0x0;
	s1 =	sor.u32 s0, s1  }
0x5: {  	[smem:$0x7FF] =	sst s5;
	s0 =	ssub.s32 $0x2, s0;
	s6 =	smul.u32 $0xF0, s1  }
0x6: {  	s2 =	sadd.s32 $0x20800, s2;
	s7 =	sshrl.u32 s0, $0x1;
	s1 =	smul.u32 $0xF0000, s1  }
0x7: {  	s4 =	sshrl.u32 s6, $0x3;
	[dreg:$0x4] =	wrdreg s6;
	s6 =	sadd.s32 $0x1E00, s6  }
0x8: {  	s0 =	ssub.s32 s0, s7;
	s4 =	smul.u32 $0x1A00, s4;
	[dreg:$0x5] =	wrdreg s6  }
0x9: {  	s6 =	sshrl.u32 s6, $0x3;
	_ =	strace $0x80000047;
	[dreg:$0x6] =	wrdreg s2  }
0xa: {  	s0 =	smax.u32 s0, $0x1;
	s6 =	smul.u32 $0x1A00, s6;
	[dreg:$0x9] =	wrdreg s1  }
0xb: {  	[dreg:$0xa] =	wrdreg s0;
	s30 =	sadd.s32 s14, s4  }
0xc: {  	s15 =	simm.s32 $0x200;
	[dreg:$0x7] =	wrdreg s30;
	s31 =	sadd.s32 s14, s6  }
0xd: {  	s16 =	simm.s32 $0x6800;
	s2 =	simm.s32 $0x0;
	[dreg:$0x8] =	wrdreg s31  }
.LBB2_1:
0xe: {  	[dreg:$0xb] =	wrdreg s2  }
0xf: {  	s0 =	rddreg [dreg:$0x6];
	s1 =	simm.s32 $0x15000;
	s26 =	simm.s32 $0x5  }
0x10: {  	[tilespmem:s1], [sflag:$0x5] =	stream.linear.gather [hbm4b:s0+s5], $0x1000, $0x38;
	[tilespmem:$0x16000] =	vst v63  }
0x11: {  	_ =	swait.ge [sflag:s26], $0x1000  }
0x12: {  	[sflag:s26] =	ssyncset.done $0x0  }
0x13: {  	s30 =	simm.s32 $0x400;
	s28 =	rddreg [dreg:$0x7];
	[sflag:s26] =	ssyncadd.s32 $0xFFFFF000  }
0x14: {  	[tilespmem:s5], [sflag:$0x1] =	stream.strided.gather [hbm4b:s28+s15], $0x6800, s30, s15, $0x38;
	[tilespmem:$0x16000] =	vst v63  }
0x15: {  	s29 =	simm.s32 $0x0;
	s31 =	rddreg [dreg:$0x8]  }
0x16: {  	[tilespmem:s16], [sflag:$0x2] =	stream.strided.gather [hbm4b:s31+s15], $0x6800, s30, s15, $0x38;
	[tilespmem:$0x16000] =	vst v63  }
.LBB2_2:
0x17: {  	p1 =	seq.s32 s29, $0x0  }
0x18: {  	s0 =	simm.s32 @!p1 $0x3  }
0x19: {  	_ =	swait.ge @!p1 [sflag:s0], $0x2000  }
0x1a: {  	[sflag:s0] =	ssyncset.done @!p1 $0x0  }
0x1b: {  	[sflag:s0] =	ssyncadd.s32 @!p1 $0xFFFFE000  }
0x1c: {  	_ =	swait.ge @!p1 [sflag:s0], $0x2000  }
0x1d: {  	s21 =	simm.s32 $0x0;
	[sflag:s0] =	ssyncset.done @!p1 $0x0  }
0x1e: {  	s1 =	simm.s32 $0x0;
	s4 =	simm.s32 $0x1;
	[sflag:s0] =	ssyncadd.s32 @!p1 $0xFFFFE000  }
0x1f: {  	s2 =	sand.u32 $0x40, s21;
	s22 =	sand.u32 $0x3FFFFF00, s1;
	_ =	swait.ge [sflag:s4], $0x6800  }
0x20: {  	s23 =	sor.u32 $0x30, s2;
	s0 =	sadd.s32 $0x15000, s22;
	[sflag:s4] =	ssyncset.done $0x0  }
0x21: {  	s8 =	sor.u32 s23, s0;
	[sflag:s4] =	ssyncadd.s32 $0xFFFF9800  }
0x22: {  	v0 =	vld [tilespmem:s8+$0x0];
	_ =	sdelay $0x4  }
0x23: {  	s9 =	sor.u32 $0x10, s2;
	s10 =	sor.u32 $0x20, s2;
	s6 =	sor.u32 s2, s0;
	v1 =	vshll.u32 v0, $0x2  }
0x24: {  	s7 =	sor.u32 s9, s0;
	s0 =	sor.u32 s10, s0;
	v2 =	vld [tilespmem:s6+$0x0];
	v0 =	vand.u32 $0x7F, v0;
	v1 =	vand.u32 $0xFFFFFE00, v1  }
0x25: {  	v3 =	vld [tilespmem:s0+$0x0];
	v0 =	vor.u32 v0, v1  }
0x26: {  	v1 =	vld [tilespmem:s7+$0x0];
	_ =	sdelay $0x3  }
0x27: {  	v5 =	vshll.u32 v2, $0x2;
	v2 =	vand.u32 $0x7F, v2;
	v8 =	vshll.u32 v3, $0x2;
	v4 =	vld.idx.msk [tilespmem:v0+s5+$0x0], $0xffff  }
0x28: {  	v5 =	vand.u32 $0xFFFFFE00, v5;
	v7 =	vor.u32 $0x80, v0;
	v6 =	vshll.u32 v1, $0x2  }
0x29: {  	s24 =	simm.s32 $0x0;
	v2 =	vor.u32 v2, v5;
	v1 =	vand.u32 $0x7F, v1;
	v6 =	vand.u32 $0xFFFFFE00, v6  }
0x2a: {  	s11 =	sand.u32 $0xFFFFFE00, s24;
	v3 =	vand.u32 $0x7F, v3;
	v5 =	vand.u32 $0xFFFFFE00, v8;
	v1 =	vor.u32 v1, v6  }
0x2b: {  	s4 =	sor.u32 s11, s23;
	v3 =	vor.u32 v3, v5  }
0x2c: {  	[tilespmem:s4+$0xD000] =	vst v4  }
0x2d: {  	v4 =	vld.idx.msk [tilespmem:v7+s5+$0x0], $0xffff  }
0x2e: {  	v5 =	vor.u32 $0x100, v0;
	v6 =	vld.idx.msk [tilespmem:v2+s5+$0x0], $0xffff  }
0x2f: {  	v7 =	vor.u32 $0x80, v2;
	v8 =	vld.idx.msk [tilespmem:v1+s5+$0x0], $0xffff  }
0x30: {  	v10 =	vld.idx.msk [tilespmem:v3+s5+$0x0], $0xffff;
	v9 =	vor.u32 $0x80, v1  }
0x31: {  	v11 =	vor.u32 $0x80, v3  }
0x32: {  	s1 =	sor.u32 s2, s11;
	[tilespmem:s4+$0xD080] =	vst v4  }
0x33: {  	s26 =	sor.u32 s11, s9;
	[tilespmem:s1+$0xD000] =	vst v6;
	v4 =	vld.idx.msk [tilespmem:v5+s5+$0x0], $0xffff  }
0x34: {  	s2 =	sor.u32 s11, s10;
	v0 =	vor.u32 $0x180, v0;
	v5 =	vld.idx.msk [tilespmem:v7+s5+$0x0], $0xffff;
	[tilespmem:s26+$0xD000] =	vst v8  }
0x35: {  	[tilespmem:s2+$0xD000] =	vst v10;
	v6 =	vor.u32 $0x100, v2;
	v7 =	vld.idx.msk [tilespmem:v9+s5+$0x0], $0xffff  }
0x36: {  	s25 =	simm.s32 $0x80;
	s28 =	simm.s32 $0x40;
	v9 =	vld.idx.msk [tilespmem:v11+s5+$0x0], $0xffff  }
0x37: {  	s10 =	sand.u32 $0x40, s28;
	s9 =	sand.u32 $0x3FFFFF00, s25;
	v8 =	vor.u32 $0x100, v1  }
0x38: {  	s9 =	sadd.s32 $0x15000, s9;
	s12 =	sor.u32 $0x30, s10;
	v10 =	vor.u32 $0x100, v3;
	[tilespmem:s4+$0xD100] =	vst v4  }
0x39: {  	s17 =	sor.u32 $0x10, s10;
	s18 =	sor.u32 $0x20, s10;
	s21 =	sor.u32 s12, s9;
	[tilespmem:s1+$0xD080] =	vst v5;
	v0 =	vld.idx.msk [tilespmem:v0+s5+$0x0], $0xffff  }
0x3a: {  	s13 =	sor.u32 s10, s9;
	s30 =	sor.u32 s17, s9;
	s9 =	sor.u32 s18, s9;
	v4 =	vld.idx.msk [tilespmem:v6+s5+$0x0], $0xffff;
	[tilespmem:s26+$0xD080] =	vst v7  }
0x3b: {  	[tilespmem:s2+$0xD080] =	vst v9;
	v9 =	vld [tilespmem:s9+$0x0]  }
0x3c: {  	v2 =	vor.u32 $0x180, v2;
	v5 =	vld.idx.msk [tilespmem:v8+s5+$0x0], $0xffff  }
0x3d: {  	v6 =	vld.idx.msk [tilespmem:v10+s5+$0x0], $0xffff  }
0x3e: {  	v1 =	vor.u32 $0x180, v1;
	[tilespmem:s4+$0xD180] =	vst v0;
	v0 =	vld [tilespmem:s21+$0x0]  }
0x3f: {  	v7 =	vld [tilespmem:s8+$0x80]  }
0x40: {  	v8 =	vld [tilespmem:s13+$0x0];
	[tilespmem:s1+$0xD100] =	vst v4  }
0x41: {  	v2 =	vld.idx.msk [tilespmem:v2+s5+$0x0], $0xffff  }
0x42: {  	v4 =	vld [tilespmem:s30+$0x0];
	[tilespmem:s26+$0xD100] =	vst v5  }
0x43: {  	v3 =	vor.u32 $0x180, v3;
	v1 =	vld.idx.msk [tilespmem:v1+s5+$0x0], $0xffff;
	v10 =	vshll.u32 v0, $0x2  }
0x44: {  	v0 =	vand.u32 $0x7F, v0;
	v10 =	vand.u32 $0xFFFFFE00, v10;
	v11 =	vshll.u32 v7, $0x2  }
0x45: {  	v5 =	vor.u32 v0, v10;
	v0 =	vand.u32 $0x7F, v7;
	v7 =	vand.u32 $0xFFFFFE00, v11  }
0x46: {  	[tilespmem:s1+$0xD180] =	vst v2;
	v2 =	vshll.u32 v9, $0x2;
	v10 =	vshll.u32 v8, $0x2;
	v7 =	vor.u32 v0, v7  }
0x47: {  	[tilespmem:s2+$0xD100] =	vst v6;
	v11 =	vshll.u32 v4, $0x2;
	v8 =	vand.u32 $0x7F, v8;
	v0 =	vand.u32 $0xFFFFFE00, v10  }
0x48: {  	v3 =	vld.idx.msk [tilespmem:v3+s5+$0x0], $0xffff;
	v4 =	vand.u32 $0x7F, v4;
	[tilespmem:s26+$0xD180] =	vst v1;
	v6 =	vand.u32 $0xFFFFFE00, v11;
	v8 =	vor.u32 v8, v0  }
0x49: {  	v2 =	vand.u32 $0xFFFFFE00, v2;
	v10 =	vld [tilespmem:s7+$0x80];
	v4 =	vor.u32 v4, v6;
	v6 =	vand.u32 $0x7F, v9  }
0x4a: {  	v6 =	vor.u32 v6, v2;
	v2 =	vld.idx.msk [tilespmem:v5+s5+$0x0], $0xffff  }
0x4b: {  	v9 =	vor.u32 $0x80, v5;
	v1 =	vld.idx.msk [tilespmem:v7+s5+$0x0], $0xffff  }
0x4c: {  	s31 =	simm.s32 $0x100;
	v0 =	vld [tilespmem:s6+$0x80];
	v11 =	vor.u32 $0x80, v7  }
0x4d: {  	s6 =	sand.u32 $0xFFFFFE00, s31;
	v12 =	vld.idx.msk [tilespmem:v8+s5+$0x0], $0xffff  }
0x4e: {  	v13 =	vor.u32 $0x80, v8;
	s12 =	sor.u32 s6, s12;
	v14 =	vld.idx.msk [tilespmem:v4+s5+$0x0], $0xffff  }
0x4f: {  	v15 =	vor.u32 $0x80, v4;
	v16 =	vld.idx.msk [tilespmem:v6+s5+$0x0], $0xffff;
	[tilespmem:s12+$0xD000] =	vst v2  }
0x50: {  	v2 =	vor.u32 $0x80, v6;
	v9 =	vld.idx.msk [tilespmem:v9+s5+$0x0], $0xffff;
	[tilespmem:s4+$0x11000] =	vst v1  }
0x51: {  	[tilespmem:s2+$0xD180] =	vst v3;
	v17 =	vor.u32 $0x100, v5;
	s8 =	sor.u32 s10, s6;
	v3 =	vshll.u32 v10, $0x2;
	v1 =	vshll.u32 v0, $0x2;
	v11 =	vld.idx.msk [tilespmem:v11+s5+$0x0], $0xffff  }
0x52: {  	v18 =	vld [tilespmem:s0+$0x80];
	s0 =	sor.u32 s6, s17;
	v0 =	vand.u32 $0x7F, v0;
	v1 =	vand.u32 $0xFFFFFE00, v1;
	[tilespmem:s8+$0xD000] =	vst v12;
	v12 =	vor.u32 $0x100, v7  }
0x53: {  	s7 =	sor.u32 s6, s18;
	v10 =	vand.u32 $0x7F, v10;
	v3 =	vand.u32 $0xFFFFFE00, v3;
	[tilespmem:s0+$0xD000] =	vst v14;
	v1 =	vor.u32 v0, v1;
	v13 =	vld.idx.msk [tilespmem:v13+s5+$0x0], $0xffff  }
0x54: {  	v0 =	vor.u32 v10, v3;
	v3 =	vld.idx.msk [tilespmem:v15+s5+$0x0], $0xffff;
	[tilespmem:s7+$0xD000] =	vst v16  }
0x55: {  	v10 =	vor.u32 $0x100, v8;
	v14 =	vld.idx.msk [tilespmem:v2+s5+$0x0], $0xffff;
	[tilespmem:s12+$0xD080] =	vst v9  }
0x56: {  	v15 =	vld.idx.msk [tilespmem:v17+s5+$0x0], $0xffff;
	[tilespmem:s4+$0x11080] =	vst v11  }
0x57: {  	s6 =	simm.s32 $0x100;
	s18 =	simm.s32 $0x80;
	v9 =	vor.u32 $0x100, v4;
	v12 =	vld.idx.msk [tilespmem:v12+s5+$0x0], $0xffff  }
0x58: {  	s17 =	sand.u32 $0x40, s18;
	s10 =	sand.u32 $0x3FFFFF00, s6;
	v2 =	vshll.u32 v18, $0x2;
	v11 =	vor.u32 $0x100, v6;
	v16 =	vld.idx.msk [tilespmem:v1+s5+$0x0], $0xffff  }
0x59: {  	v5 =	vor.u32 $0x180, v5;
	s22 =	sadd.s32 $0x15000, s10;
	s25 =	sor.u32 $0x10, s17;
	v2 =	vand.u32 $0xFFFFFE00, v2;
	v17 =	vand.u32 $0x7F, v18;
	[tilespmem:s8+$0xD080] =	vst v13;
	v13 =	vld.idx.msk [tilespmem:v0+s5+$0x0], $0xffff  }
0x5a: {  	s24 =	sor.u32 s25, s22;
	v2 =	vor.u32 v17, v2;
	[tilespmem:s0+$0xD080] =	vst v3;
	v10 =	vld.idx.msk [tilespmem:v10+s5+$0x0], $0xffff  }
0x5b: {  	v7 =	vor.u32 $0x180, v7;
	[tilespmem:s7+$0xD080] =	vst v14;
	v14 =	vld [tilespmem:s24+$0x0]  }
0x5c: {  	v3 =	vor.u32 $0x180, v8;
	v8 =	vld.idx.msk [tilespmem:v9+s5+$0x0], $0xffff  }
0x5d: {  	v9 =	vld.idx.msk [tilespmem:v11+s5+$0x0], $0xffff;
	[tilespmem:s12+$0xD100] =	vst v15  }
0x5e: {  	v4 =	vor.u32 $0x180, v4;
	v5 =	vld.idx.msk [tilespmem:v5+s5+$0x0], $0xffff  }
0x5f: {  	[tilespmem:s4+$0x11100] =	vst v12;
	v11 =	vld.idx.msk [tilespmem:v2+s5+$0x0], $0xffff  }
0x60: {  	s23 =	sor.u32 s17, s22;
	v6 =	vor.u32 $0x180, v6;
	v7 =	vld.idx.msk [tilespmem:v7+s5+$0x0], $0xffff  }
0x61: {  	[tilespmem:s8+$0xD100] =	vst v10;
	v10 =	vld [tilespmem:s23+$0x0]  }
0x62: {  	s20 =	sor.u32 $0x30, s17;
	v12 =	vor.u32 $0x80, v0;
	v3 =	vld.idx.msk [tilespmem:v3+s5+$0x0], $0xffff;
	[tilespmem:s0+$0xD100] =	vst v8  }
0x63: {  	s19 =	sor.u32 s20, s22;
	v4 =	vld.idx.msk [tilespmem:v4+s5+$0x0], $0xffff;
	[tilespmem:s7+$0xD100] =	vst v9  }
0x64: {  	v8 =	vor.u32 $0x80, v1;
	[tilespmem:s12+$0xD180] =	vst v5;
	v5 =	vld [tilespmem:s19+$0x0]  }
0x65: {  	[tilespmem:s1+$0x11000] =	vst v16;
	v16 =	vor.u32 $0x80, v2;
	v6 =	vld.idx.msk [tilespmem:v6+s5+$0x0], $0xffff  }
0x66: {  	s28 =	sor.u32 $0x20, s17;
	[tilespmem:s26+$0x11000] =	vst v13;
	v9 =	vld [tilespmem:s21+$0x80]  }
0x67: {  	v12 =	vld.idx.msk [tilespmem:v12+s5+$0x0], $0xffff;
	s21 =	sor.u32 s28, s22  }
0x68: {  	v17 =	vor.u32 $0x100, v0;
	[tilespmem:s8+$0xD180] =	vst v3;
	v3 =	vld [tilespmem:s21+$0x0]  }
0x69: {  	v15 =	vor.u32 $0x100, v1;
	[tilespmem:s2+$0x11000] =	vst v11;
	v8 =	vld.idx.msk [tilespmem:v8+s5+$0x0], $0xffff;
	v18 =	vshll.u32 v5, $0x2;
	v5 =	vand.u32 $0x7F, v5  }
0x6a: {  	v16 =	vld.idx.msk [tilespmem:v16+s5+$0x0], $0xffff;
	[tilespmem:s7+$0xD180] =	vst v6;
	v6 =	vshll.u32 v10, $0x2;
	v10 =	vand.u32 $0x7F, v10;
	v18 =	vand.u32 $0xFFFFFE00, v18  }
0x6b: {  	[tilespmem:s0+$0xD180] =	vst v4;
	v4 =	vld [tilespmem:s13+$0x80];
	v19 =	vshll.u32 v9, $0x2;
	v6 =	vand.u32 $0xFFFFFE00, v6;
	v5 =	vor.u32 v5, v18  }
0x6c: {  	v13 =	vld [tilespmem:s30+$0x80];
	[tilespmem:s26+$0x11080] =	vst v12;
	v9 =	vand.u32 $0x7F, v9;
	v18 =	vand.u32 $0xFFFFFE00, v19;
	v6 =	vor.u32 v10, v6  }
0x6d: {  	v17 =	vld.idx.msk [tilespmem:v17+s5+$0x0], $0xffff;
	v19 =	vshll.u32 v14, $0x2;
	v14 =	vand.u32 $0x7F, v14;
	v9 =	vor.u32 v9, v18  }
0x6e: {  	v18 =	vld [tilespmem:s9+$0x80];
	v11 =	vand.u32 $0xFFFFFE00, v19;
	[tilespmem:s1+$0x11080] =	vst v8;
	v8 =	vshll.u32 v3, $0x2;
	v19 =	vor.u32 $0x100, v2  }
0x6f: {  	v3 =	vand.u32 $0x7F, v3;
	v8 =	vand.u32 $0xFFFFFE00, v8;
	v10 =	vld.idx.msk [tilespmem:v15+s5+$0x0], $0xffff;
	v14 =	vor.u32 v14, v11  }
0x70: {  	v1 =	vor.u32 $0x180, v1;
	v3 =	vor.u32 v3, v8;
	v8 =	vld.idx.msk [tilespmem:v5+s5+$0x0], $0xffff  }
0x71: {  	[tilespmem:s4+$0x11180] =	vst v7;
	v7 =	vld.idx.msk [tilespmem:v6+s5+$0x0], $0xffff  }
0x72: {  	[tilespmem:s2+$0x11080] =	vst v16;
	v15 =	vor.u32 $0x80, v5;
	v11 =	vld.idx.msk [tilespmem:v9+s5+$0x0], $0xffff  }
0x73: {  	s30 =	simm.s32 $0x200;
	v12 =	vor.u32 $0x80, v9;
	[tilespmem:s26+$0x11100] =	vst v17;
	v17 =	vld.idx.msk [tilespmem:v19+s5+$0x0], $0xffff  }
0x74: {  	s31 =	sand.u32 $0xFFFFFE00, s30;
	v22 =	vshll.u32 v13, $0x2;
	v16 =	vld.idx.msk [tilespmem:v14+s5+$0x0], $0xffff;
	[tilespmem:s1+$0x11100] =	vst v10  }
0x75: {  	s22 =	sor.u32 s31, s20;
	v20 =	vor.u32 $0x80, v6;
	v13 =	vand.u32 $0x7F, v13;
	v19 =	vld.idx.msk [tilespmem:v1+s5+$0x0], $0xffff;
	v1 =	vand.u32 $0xFFFFFE00, v22  }
0x76: {  	v21 =	vld.idx.msk [tilespmem:v3+s5+$0x0], $0xffff;
	v22 =	vor.u32 v13, v1;
	[tilespmem:s22+$0xD000] =	vst v8  }
0x77: {  	v8 =	vor.u32 $0x80, v14;
	v15 =	vld.idx.msk [tilespmem:v15+s5+$0x0], $0xffff;
	[tilespmem:s12+$0x11000] =	vst v11  }
0x78: {  	s9 =	sor.u32 s17, s31;
	v11 =	vor.u32 $0x80, v3;
	v10 =	vld.idx.msk [tilespmem:v12+s5+$0x0], $0xffff;
	v12 =	vshll.u32 v4, $0x2  }
0x79: {  	v23 =	vor.u32 $0x100, v5;
	[tilespmem:s9+$0xD000] =	vst v7;
	v4 =	vand.u32 $0x7F, v4;
	v12 =	vand.u32 $0xFFFFFE00, v12  }
0x7a: {  	s11 =	sor.u32 s31, s25;
	v7 =	vor.u32 $0x100, v9;
	[tilespmem:s2+$0x11100] =	vst v17;
	v4 =	vor.u32 v4, v12;
	v12 =	vld.idx.msk [tilespmem:v20+s5+$0x0], $0xffff  }
0x7b: {  	s13 =	sor.u32 s31, s28;
	[tilespmem:s11+$0xD000] =	vst v16;
	v16 =	vld.idx.msk [tilespmem:v22+s5+$0x0], $0xffff  }
0x7c: {  	v13 =	vor.u32 $0x100, v6;
	[tilespmem:s13+$0xD000] =	vst v21;
	v8 =	vld.idx.msk [tilespmem:v8+s5+$0x0], $0xffff  }
0x7d: {  	v21 =	vld.idx.msk [tilespmem:v11+s5+$0x0], $0xffff;
	[tilespmem:s22+$0xD080] =	vst v15;
	v15 =	vor.u32 $0x100, v14  }
0x7e: {  	v26 =	vor.u32 $0x180, v5;
	v28 =	vor.u32 $0x180, v9;
	v24 =	vor.u32 $0x100, v3;
	v23 =	vld.idx.msk [tilespmem:v23+s5+$0x0], $0xffff;
	[tilespmem:s12+$0x11080] =	vst v10  }
0x7f: {  	v1 =	vor.u32 $0x180, v0;
	v0 =	vor.u32 $0x180, v2;
	v2 =	vshll.u32 v18, $0x2;
	[tilespmem:s1+$0x11180] =	vst v19;
	v25 =	vld.idx.msk [tilespmem:v7+s5+$0x0], $0xffff  }
0x80: {  	v2 =	vand.u32 $0xFFFFFE00, v2;
	v10 =	vor.u32 $0x180, v3;
	v3 =	vand.u32 $0x7F, v18;
	v27 =	vld.idx.msk [tilespmem:v4+s5+$0x0], $0xffff;
	[tilespmem:s9+$0xD080] =	vst v12  }
0x81: {  	v12 =	vor.u32 $0x180, v14;
	v14 =	vor.u32 v3, v2;
	v20 =	vld.idx.msk [tilespmem:v13+s5+$0x0], $0xffff;
	[tilespmem:s11+$0xD080] =	vst v8  }
0x82: {  	v13 =	vor.u32 $0x80, v4;
	v17 =	vld.idx.msk [tilespmem:v15+s5+$0x0], $0xffff;
	[tilespmem:s13+$0xD080] =	vst v21  }
0x83: {  	v5 =	vor.u32 $0x100, v22;
	v11 =	vor.u32 $0x180, v6;
	v6 =	vor.u32 $0x180, v22;
	v18 =	vld.idx.msk [tilespmem:v24+s5+$0x0], $0xffff;
	[tilespmem:s22+$0xD100] =	vst v23  }
0x84: {  	v7 =	vor.u32 $0x100, v4;
	v3 =	vor.u32 $0x180, v4;
	v8 =	vor.u32 $0x80, v22;
	v19 =	vld.idx.msk [tilespmem:v26+s5+$0x0], $0xffff;
	[tilespmem:s12+$0x11100] =	vst v25  }
0x85: {  	s1 =	simm.s32 $0x8;
	v9 =	vor.u32 $0x80, v14;
	v2 =	vor.u32 $0x100, v14;
	v4 =	vor.u32 $0x180, v14;
	[tilespmem:s8+$0x11000] =	vst v27;
	v15 =	vld.idx.msk [tilespmem:v28+s5+$0x0], $0xffff  }
.LBB2_3:
0x86: {  	s1 =	sadd.s32 $0x4, s1;
	[tilespmem:s0+$0x11000] =	vst v16;
	v14 =	vld.idx.msk [tilespmem:v14+s5+$0x0], $0xffff  }
0x87: {  	s18 =	sadd.s32 $0x40, s18;
	s6 =	sshll.u32 s1, $0x5;
	p0 =	slt.u32 s1, $0x7C;
	[tilespmem:s9+$0xD100] =	vst v20;
	v13 =	vld.idx.msk [tilespmem:v13+s5+$0x0], $0xffff  }
0x88: {  	s4 =	sand.u32 $0x40, s18;
	s6 =	sand.u32 $0x3FFFFF00, s6;
	v11 =	vld.idx.msk [tilespmem:v11+s5+$0x0], $0xffff;
	[tilespmem:s11+$0xD100] =	vst v17  }
0x89: {  	s10 =	sor.u32 $0x10, s4;
	s25 =	sor.u32 $0x30, s4;
	s17 =	sadd.s32 $0x15000, s6;
	v12 =	vld.idx.msk [tilespmem:v12+s5+$0x0], $0xffff;
	[tilespmem:s13+$0xD100] =	vst v18  }
0x8a: {  	s6 =	sor.u32 $0x20, s4;
	s20 =	sor.u32 s4, s17;
	s28 =	sor.u32 s25, s17;
	v10 =	vld.idx.msk [tilespmem:v10+s5+$0x0], $0xffff;
	[tilespmem:s22+$0xD180] =	vst v19  }
0x8b: {  	s30 =	sor.u32 s10, s17;
	s17 =	sor.u32 s6, s17;
	v16 =	vld [tilespmem:s28+$0x0];
	[tilespmem:s12+$0x11180] =	vst v15;
	s12 =	smov.u32 s22  }
0x8c: {  	v15 =	vld [tilespmem:s19+$0x80];
	[tilespmem:s7+$0x11000] =	vst v14;
	s19 =	smov.u32 s28  }
0x8d: {  	v14 =	vld [tilespmem:s20+$0x0];
	[tilespmem:s8+$0x11080] =	vst v13  }
0x8e: {  	v13 =	vld [tilespmem:s30+$0x0];
	[tilespmem:s9+$0xD180] =	vst v11  }
0x8f: {  	v11 =	vld [tilespmem:s17+$0x0];
	[tilespmem:s11+$0xD180] =	vst v12  }
0x90: {  	v12 =	vshll.u32 v16, $0x2;
	v17 =	vld [tilespmem:s23+$0x80];
	[tilespmem:s13+$0xD180] =	vst v10;
	s23 =	smov.u32 s20  }
0x91: {  	v10 =	vand.u32 $0x7F, v16;
	v12 =	vand.u32 $0xFFFFFE00, v12;
	v16 =	vld [tilespmem:s24+$0x80];
	v18 =	vshll.u32 v15, $0x2;
	s24 =	smov.u32 s30  }
0x92: {  	v19 =	vor.u32 v10, v12;
	v20 =	vld [tilespmem:s21+$0x80];
	v10 =	vand.u32 $0x7F, v15;
	v12 =	vand.u32 $0xFFFFFE00, v18;
	s21 =	smov.u32 s17  }
0x93: {  	v15 =	vshll.u32 v14, $0x2;
	v18 =	vshll.u32 v13, $0x2;
	v21 =	vor.u32 v10, v12;
	v8 =	vld.idx.msk [tilespmem:v8+s5+$0x0], $0xffff  }
0x94: {  	v10 =	vand.u32 $0xFFFFFE00, v15;
	v12 =	vand.u32 $0xFFFFFE00, v18;
	v15 =	vshll.u32 v11, $0x2;
	v9 =	vld.idx.msk [tilespmem:v9+s5+$0x0], $0xffff  }
0x95: {  	v14 =	vand.u32 $0x7F, v14;
	v13 =	vand.u32 $0x7F, v13;
	v15 =	vand.u32 $0xFFFFFE00, v15;
	v7 =	vld.idx.msk [tilespmem:v7+s5+$0x0], $0xffff  }
0x96: {  	v14 =	vor.u32 v14, v10;
	v10 =	vand.u32 $0x7F, v11;
	v13 =	vor.u32 v13, v12;
	v18 =	vld.idx.msk [tilespmem:v1+s5+$0x0], $0xffff;
	v1 =	vmovc v6  }
0x97: {  	v6 =	vor.u32 $0x80, v14;
	v22 =	vor.u32 $0x80, v13;
	v15 =	vor.u32 v10, v15;
	v23 =	vld.idx.msk [tilespmem:v19+s5+$0x0], $0xffff  }
0x98: {  	v24 =	vor.u32 $0x100, v14;
	v25 =	vor.u32 $0x100, v13;
	v26 =	vor.u32 $0x80, v15;
	v27 =	vld.idx.msk [tilespmem:v21+s5+$0x0], $0xffff  }
0x99: {  	v29 =	vor.u32 $0x80, v19;
	v11 =	vor.u32 $0x180, v14;
	v28 =	vor.u32 $0x100, v15;
	[tilespmem:s0+$0x11080] =	vst v8;
	v30 =	vld.idx.msk [tilespmem:v0+s5+$0x0], $0xffff;
	v0 =	vmovc v4  }
0x9a: {  	s17 =	sshll.u32 s1, $0x6;
	v12 =	vor.u32 $0x180, v13;
	v10 =	vor.u32 $0x180, v15;
	v4 =	vor.u32 $0x80, v21;
	v5 =	vld.idx.msk [tilespmem:v5+s5+$0x0], $0xffff;
	[tilespmem:s7+$0x11080] =	vst v9  }
0x9b: {  	s17 =	sand.u32 $0xFFFFFE00, s17;
	v8 =	vshll.u32 v17, $0x2;
	v9 =	vshll.u32 v16, $0x2;
	v31 =	vld.idx.msk [tilespmem:v14+s5+$0x0], $0xffff;
	v14 =	vshll.u32 v20, $0x2;
	[tilespmem:s8+$0x11100] =	vst v7  }
0x9c: {  	s4 =	sor.u32 s4, s17;
	s10 =	sor.u32 s17, s10;
	s22 =	sor.u32 s17, s25;
	v7 =	vand.u32 $0xFFFFFE00, v8;
	v8 =	vand.u32 $0xFFFFFE00, v9;
	v32 =	vld.idx.msk [tilespmem:v13+s5+$0x0], $0xffff;
	v9 =	vand.u32 $0xFFFFFE00, v14;
	[tilespmem:s26+$0x11180] =	vst v18  }
0x9d: {  	s6 =	sor.u32 s17, s6;
	v13 =	vand.u32 $0x7F, v17;
	v14 =	vand.u32 $0x7F, v16;
	v16 =	vand.u32 $0x7F, v20;
	s26 =	smov.u32 s0;
	s0 =	smov.u32 s11;
	v15 =	vld.idx.msk [tilespmem:v15+s5+$0x0], $0xffff;
	[tilespmem:s22+$0xD000] =	vst v23  }
0x9e: {  	s11 =	smov.u32 s10;
	v18 =	vor.u32 v13, v7;
	v20 =	vor.u32 v14, v8;
	v17 =	vld.idx.msk [tilespmem:v29+s5+$0x0], $0xffff;
	[tilespmem:s12+$0x11000] =	vst v27  }
0x9f: {  	v14 =	vor.u32 v16, v9;
	v13 =	vor.u32 $0x80, v18;
	v8 =	vor.u32 $0x80, v20;
	v16 =	vld.idx.msk [tilespmem:v4+s5+$0x0], $0xffff;
	[tilespmem:s2+$0x11180] =	vst v30;
	s2 =	smov.u32 s7;
	s7 =	smov.u32 s13;
	s13 =	smov.u32 s6  }
0xa0: {  	v23 =	vor.u32 $0x100, v19;
	v7 =	vor.u32 $0x100, v18;
	v9 =	vor.u32 $0x80, v14;
	[tilespmem:s26+$0x11100] =	vst v5;
	v27 =	vld.idx.msk [tilespmem:v2+s5+$0x0], $0xffff  }
0xa1: {  	v29 =	vor.u32 $0x100, v21;
	v5 =	vor.u32 $0x100, v20;
	v2 =	vor.u32 $0x100, v14;
	[tilespmem:s4+$0xD000] =	vst v31;
	v30 =	vld.idx.msk [tilespmem:v3+s5+$0x0], $0xffff  }
0xa2: {  	v4 =	vor.u32 $0x180, v14;
	v3 =	vor.u32 $0x180, v18;
	v31 =	vld.idx.msk [tilespmem:v6+s5+$0x0], $0xffff;
	[tilespmem:s11+$0xD000] =	vst v32;
	v6 =	vor.u32 $0x180, v20  }
0xa3: {  	v22 =	vld.idx.msk [tilespmem:v22+s5+$0x0], $0xffff;
	[tilespmem:s13+$0xD000] =	vst v15  }
0xa4: {  	v15 =	vld.idx.msk [tilespmem:v26+s5+$0x0], $0xffff;
	[tilespmem:s22+$0xD080] =	vst v17  }
0xa5: {  	v23 =	vld.idx.msk [tilespmem:v23+s5+$0x0], $0xffff;
	[tilespmem:s12+$0x11080] =	vst v16  }
0xa6: {  	v26 =	vld.idx.msk [tilespmem:v29+s5+$0x0], $0xffff;
	[tilespmem:s2+$0x11100] =	vst v27  }
0xa7: {  	v19 =	vor.u32 $0x180, v19;
	v27 =	vld.idx.msk [tilespmem:v18+s5+$0x0], $0xffff;
	[tilespmem:s8+$0x11180] =	vst v30;
	s8 =	smov.u32 s9;
	s9 =	smov.u32 s4  }
0xa8: {  	v21 =	vor.u32 $0x180, v21;
	[tilespmem:s9+$0xD080] =	vst v31;
	v16 =	vld.idx.msk [tilespmem:v20+s5+$0x0], $0xffff  }
.Ltmp0:
0xa9: {  	v20 =	vld.idx.msk [tilespmem:v24+s5+$0x0], $0xffff;
	[tilespmem:s11+$0xD080] =	vst v22;
	(pc) =	sbr.rel @p0 .LBB2_3-.Ltmp0, $4  }
0xaa: {  	v17 =	vld.idx.msk [tilespmem:v25+s5+$0x0], $0xffff;
	[tilespmem:s13+$0xD080] =	vst v15  }
0xab: {  	v18 =	vld.idx.msk [tilespmem:v28+s5+$0x0], $0xffff;
	[tilespmem:s22+$0xD100] =	vst v23  }
0xac: {  	v19 =	vld.idx.msk [tilespmem:v19+s5+$0x0], $0xffff;
	[tilespmem:s12+$0x11100] =	vst v26  }
0xad: {  	[tilespmem:s8+$0x11000] =	vst v27;
	v15 =	vld.idx.msk [tilespmem:v21+s5+$0x0], $0xffff  }
0xae: {  	_ =	sdelay $0x2  }
0xaf: {  	[tilespmem:s9+$0xD100] =	vst v20  }
0xb0: {  	v11 =	vld.idx.msk [tilespmem:v11+s5+$0x0], $0xffff;
	[tilespmem:s11+$0xD100] =	vst v17  }
0xb1: {  	v12 =	vld.idx.msk [tilespmem:v12+s5+$0x0], $0xffff;
	[tilespmem:s13+$0xD100] =	vst v18  }
0xb2: {  	v10 =	vld.idx.msk [tilespmem:v10+s5+$0x0], $0xffff;
	[tilespmem:s22+$0xD180] =	vst v19  }
0xb3: {  	v17 =	vld [tilespmem:s19+$0x80];
	_ =	sdelay $0x1  }
0xb4: {  	[tilespmem:s9+$0xD180] =	vst v11  }
0xb5: {  	[tilespmem:s11+$0xD180] =	vst v12;
	v11 =	vld [tilespmem:s23+$0x80]  }
0xb6: {  	[tilespmem:s13+$0xD180] =	vst v10;
	v10 =	vld [tilespmem:s24+$0x80]  }
0xb7: {  	v14 =	vld.idx.msk [tilespmem:v14+s5+$0x0], $0xffff;
	v18 =	vshll.u32 v17, $0x2  }
0xb8: {  	v13 =	vld.idx.msk [tilespmem:v13+s5+$0x0], $0xffff;
	v17 =	vand.u32 $0x7F, v17;
	v18 =	vand.u32 $0xFFFFFE00, v18  }
0xb9: {  	v12 =	vld [tilespmem:s21+$0x80];
	v17 =	vor.u32 v17, v18  }
0xba: {  	v18 =	vshll.u32 v11, $0x2  }
0xbb: {  	[tilespmem:s0+$0x11000] =	vst v16;
	v11 =	vand.u32 $0x7F, v11;
	v19 =	vshll.u32 v10, $0x2;
	v18 =	vand.u32 $0xFFFFFE00, v18  }
0xbc: {  	v8 =	vld.idx.msk [tilespmem:v8+s5+$0x0], $0xffff;
	[tilespmem:s7+$0x11000] =	vst v14;
	v10 =	vand.u32 $0x7F, v10;
	v14 =	vand.u32 $0xFFFFFE00, v19;
	v11 =	vor.u32 v11, v18  }
0xbd: {  	v9 =	vld.idx.msk [tilespmem:v9+s5+$0x0], $0xffff;
	v10 =	vor.u32 v10, v14  }
0xbe: {  	[tilespmem:s8+$0x11080] =	vst v13;
	v16 =	vshll.u32 v12, $0x2;
	v13 =	vld.idx.msk [tilespmem:v17+s5+$0x0], $0xffff  }
0xbf: {  	v1 =	vld.idx.msk [tilespmem:v1+s5+$0x0], $0xffff;
	v12 =	vand.u32 $0x7F, v12;
	v16 =	vand.u32 $0xFFFFFE00, v16  }
0xc0: {  	[tilespmem:s12+$0x11180] =	vst v15;
	v7 =	vld.idx.msk [tilespmem:v7+s5+$0x0], $0xffff;
	v12 =	vor.u32 v12, v16  }
0xc1: {  	[tilespmem:s0+$0x11080] =	vst v8;
	v14 =	vor.u32 $0x80, v17;
	v8 =	vld.idx.msk [tilespmem:v11+s5+$0x0], $0xffff  }
0xc2: {  	[tilespmem:s7+$0x11080] =	vst v9;
	v9 =	vor.u32 $0x80, v11;
	v15 =	vld.idx.msk [tilespmem:v10+s5+$0x0], $0xffff  }
0xc3: {  	v0 =	vld.idx.msk [tilespmem:v0+s5+$0x0], $0xffff;
	[tilespmem:s22+$0x11000] =	vst v13;
	v13 =	vor.u32 $0x80, v10  }
0xc4: {  	[tilespmem:s26+$0x11180] =	vst v1;
	v5 =	vld.idx.msk [tilespmem:v5+s5+$0x0], $0xffff  }
0xc5: {  	[tilespmem:s8+$0x11100] =	vst v7;
	v16 =	vld.idx.msk [tilespmem:v12+s5+$0x0], $0xffff  }
0xc6: {  	v7 =	vld.idx.msk [tilespmem:v14+s5+$0x0], $0xffff;
	v14 =	vor.u32 $0x80, v12;
	[tilespmem:s9+$0x11000] =	vst v8  }
0xc7: {  	v1 =	vor.u32 $0x100, v17;
	[tilespmem:s11+$0x11000] =	vst v15;
	v8 =	vld.idx.msk [tilespmem:v9+s5+$0x0], $0xffff  }
0xc8: {  	[tilespmem:s2+$0x11180] =	vst v0;
	v9 =	vor.u32 $0x100, v11;
	v13 =	vld.idx.msk [tilespmem:v13+s5+$0x0], $0xffff  }
0xc9: {  	[tilespmem:s0+$0x11100] =	vst v5;
	v2 =	vld.idx.msk [tilespmem:v2+s5+$0x0], $0xffff;
	v15 =	vor.u32 $0x100, v10  }
0xca: {  	v3 =	vld.idx.msk [tilespmem:v3+s5+$0x0], $0xffff;
	[tilespmem:s13+$0x11000] =	vst v16  }
0xcb: {  	[tilespmem:s22+$0x11080] =	vst v7;
	v7 =	vld.idx.msk [tilespmem:v14+s5+$0x0], $0xffff  }
0xcc: {  	v0 =	vor.u32 $0x100, v12;
	v1 =	vld.idx.msk [tilespmem:v1+s5+$0x0], $0xffff;
	[tilespmem:s9+$0x11080] =	vst v8  }
0xcd: {  	v5 =	vor.u32 $0x180, v17;
	v8 =	vld.idx.msk [tilespmem:v9+s5+$0x0], $0xffff;
	[tilespmem:s11+$0x11080] =	vst v13  }
0xce: {  	[tilespmem:s7+$0x11100] =	vst v2;
	v9 =	vor.u32 $0x180, v11;
	v11 =	vld.idx.msk [tilespmem:v15+s5+$0x0], $0xffff  }
0xcf: {  	[tilespmem:s8+$0x11180] =	vst v3  }
0xd0: {  	[tilespmem:s13+$0x11080] =	vst v7  }
0xd1: {  	v7 =	vor.u32 $0x180, v10;
	[tilespmem:s22+$0x11100] =	vst v1;
	v0 =	vld.idx.msk [tilespmem:v0+s5+$0x0], $0xffff  }
0xd2: {  	v1 =	vor.u32 $0x180, v12;
	v2 =	vld.idx.msk [tilespmem:v5+s5+$0x0], $0xffff;
	[tilespmem:s9+$0x11100] =	vst v8  }
0xd3: {  	p0 =	seq.s32 s29, $0x3B;
	s26 =	sadd.s32 $0x1, s29;
	v3 =	vld.idx.msk [tilespmem:v6+s5+$0x0], $0xffff;
	[tilespmem:s11+$0x11100] =	vst v11  }
0xd4: {  	s2 =	sshll.u32 @!p0 s26, $0x2;
	v4 =	vld.idx.msk [tilespmem:v4+s5+$0x0], $0xffff;
	s1 =	rddreg [dreg:$0x4]  }
0xd5: {  	v5 =	vld.idx.msk [tilespmem:v9+s5+$0x0], $0xffff;
	[dreg:$0xc] =	wrdreg s2  }
0xd6: {  	s1 =	sadd.s32 @!p0 s1, s2;
	[tilespmem:s13+$0x11100] =	vst v0;
	v0 =	vld.idx.msk [tilespmem:v7+s5+$0x0], $0xffff  }
0xd7: {  	[tilespmem:s22+$0x11180] =	vst v2;
	s1 =	sshrl.u32 @!p0 s1, $0x3;
	v1 =	vld.idx.msk [tilespmem:v1+s5+$0x0], $0xffff  }
0xd8: {  	s2 =	sshll.u32 @!p0 s26, $0x9;
	[tilespmem:s0+$0x11180] =	vst v3;
	s1 =	smul.u32 @!p0 $0xD000, s1  }
0xd9: {  	[tilespmem:s7+$0x11180] =	vst v4;
	s30 =	sand.u32 @!p0 $0x200, s2  }
0xda: {  	[tilespmem:s9+$0x11180] =	vst v5;
	s0 =	sor.u32 @!p0 s30, s1  }
0xdb: {  	s4 =	simm.s32 @!p0 $0x0;
	s0 =	sshrl.u32 @!p0 s0, $0x3;
	[tilespmem:s11+$0x11180] =	vst v0  }
0xdc: {  	s2 =	simm.s32 @!p0 $0x400;
	s1 =	simm.s32 @!p0 $0x200;
	s0 =	sadd.s32 @!p0 s14, s0;
	[tilespmem:s13+$0x11180] =	vst v1  }
0xdd: {  	[tilespmem:s4], [sflag:$0x1] =	stream.strided.gather @!p0 [hbm4b:s0+s1], $0x6800, s2, s1, $0x38;
	[tilespmem:$0x16000] =	vst v63  }
0xde: {  	s20 =	sshll.u32 s29, $0xE;
	s22 =	rddreg [dreg:$0x9]  }
0xdf: {  	s21 =	sshll.u32 s29, $0x9;
	s2 =	sadd.s32 s22, s20  }
0xe0: {  	s29 =	sand.u32 $0x200, s21;
	s31 =	sand.u32 $0x3FF8000, s2  }
0xe1: {  	s23 =	sor.u32 s29, s31  }
0xe2: {  	s25 =	simm.s32 $0x400;
	s24 =	sshrl.u32 s23, $0x3;
	s0 =	sadd.s32 $0x1E00000, s23  }
0xe3: {  	s6 =	simm.s32 $0xD000;
	s1 =	sadd.s32 s3, s24;
	s0 =	sshrl.u32 s0, $0x3  }
0xe4: {  	[hbm4b:s1+s15] =	stream.strided.scatter [tilespmem:s6], [sflag:$0x3], $0x2000, s25, s15, $0x38;
	[tilespmem:$0x16000] =	vst v63  }
0xe5: {  	s28 =	simm.s32 $0x11000;
	s0 =	sadd.s32 s3, s0  }
0xe6: {  	[hbm4b:s0+s15] =	stream.strided.scatter [tilespmem:s28], [sflag:$0x3], $0x2000, s25, s15, $0x38;
	[tilespmem:$0x16000] =	vst v63  }
0xe7: {  	s0 =	simm.s32 @!p1 $0x4  }
0xe8: {  	_ =	swait.ge @!p1 [sflag:s0], $0x2000  }
0xe9: {  	[sflag:s0] =	ssyncset.done @!p1 $0x0  }
0xea: {  	[sflag:s0] =	ssyncadd.s32 @!p1 $0xFFFFE000  }
0xeb: {  	_ =	swait.ge @!p1 [sflag:s0], $0x2000  }
0xec: {  	s4 =	simm.s32 $0x0;
	[sflag:s0] =	ssyncset.done @!p1 $0x0  }
0xed: {  	s3 =	simm.s32 $0x0;
	s6 =	simm.s32 $0x2;
	[sflag:s0] =	ssyncadd.s32 @!p1 $0xFFFFE000  }
0xee: {  	s1 =	sand.u32 $0x3FFFFF00, s4;
	s0 =	sand.u32 $0x40, s3;
	_ =	swait.ge [sflag:s6], $0x6800  }
0xef: {  	s1 =	sadd.s32 $0x15000, s1;
	s7 =	sor.u32 $0x30, s0;
	[sflag:s6] =	ssyncset.done $0x0  }
0xf0: {  	s8 =	sor.u32 s7, s1;
	[sflag:s6] =	ssyncadd.s32 $0xFFFF9800  }
0xf1: {  	v0 =	vld [tilespmem:s8+$0x0];
	_ =	sdelay $0x4  }
0xf2: {  	s19 =	sor.u32 s0, s1;
	s21 =	sor.u32 $0x20, s0;
	v1 =	vshll.u32 v0, $0x2  }
0xf3: {  	s10 =	sor.u32 $0x10, s0;
	s22 =	sor.u32 s21, s1;
	v2 =	vld [tilespmem:s19+$0x0];
	v0 =	vand.u32 $0x7F, v0;
	v1 =	vand.u32 $0xFFFFFE00, v1  }
0xf4: {  	s20 =	sor.u32 s10, s1;
	v3 =	vld [tilespmem:s22+$0x0];
	v0 =	vor.u32 v0, v1  }
0xf5: {  	v1 =	vld [tilespmem:s20+$0x0];
	_ =	sdelay $0x3  }
0xf6: {  	v5 =	vshll.u32 v2, $0x2;
	v2 =	vand.u32 $0x7F, v2;
	v8 =	vshll.u32 v3, $0x2;
	v4 =	vld.idx.msk [tilespmem:v0+s16+$0x0], $0xffff  }
0xf7: {  	v5 =	vand.u32 $0xFFFFFE00, v5;
	v7 =	vor.u32 $0x80, v0;
	v6 =	vshll.u32 v1, $0x2  }
0xf8: {  	s25 =	simm.s32 $0x0;
	v2 =	vor.u32 v2, v5;
	v1 =	vand.u32 $0x7F, v1;
	v6 =	vand.u32 $0xFFFFFE00, v6  }
0xf9: {  	s28 =	sand.u32 $0xFFFFFE00, s25;
	v3 =	vand.u32 $0x7F, v3;
	v5 =	vand.u32 $0xFFFFFE00, v8;
	v1 =	vor.u32 v1, v6  }
0xfa: {  	s1 =	sor.u32 s28, s7;
	v3 =	vor.u32 v3, v5  }
0xfb: {  	[tilespmem:s1+$0xF000] =	vst v4  }
0xfc: {  	v4 =	vld.idx.msk [tilespmem:v7+s16+$0x0], $0xffff  }
0xfd: {  	v5 =	vor.u32 $0x100, v0;
	v6 =	vld.idx.msk [tilespmem:v2+s16+$0x0], $0xffff  }
0xfe: {  	v7 =	vor.u32 $0x80, v2;
	v8 =	vld.idx.msk [tilespmem:v1+s16+$0x0], $0xffff  }
0xff: {  	v10 =	vld.idx.msk [tilespmem:v3+s16+$0x0], $0xffff;
	v9 =	vor.u32 $0x80, v1  }
0x100: {  	v11 =	vor.u32 $0x80, v3  }
0x101: {  	s4 =	sor.u32 s0, s28;
	[tilespmem:s1+$0xF080] =	vst v4  }
0x102: {  	s12 =	sor.u32 s28, s10;
	[tilespmem:s4+$0xF000] =	vst v6;
	v4 =	vld.idx.msk [tilespmem:v5+s16+$0x0], $0xffff  }
0x103: {  	s0 =	sor.u32 s28, s21;
	v0 =	vor.u32 $0x180, v0;
	v5 =	vld.idx.msk [tilespmem:v7+s16+$0x0], $0xffff;
	[tilespmem:s12+$0xF000] =	vst v8  }
0x104: {  	[tilespmem:s0+$0xF000] =	vst v10;
	v6 =	vor.u32 $0x100, v2;
	v7 =	vld.idx.msk [tilespmem:v9+s16+$0x0], $0xffff  }
0x105: {  	v9 =	vld.idx.msk [tilespmem:v11+s16+$0x0], $0xffff  }
0x106: {  	s13 =	simm.s32 $0x40;
	s3 =	simm.s32 $0x80;
	v8 =	vor.u32 $0x100, v1  }
0x107: {  	s11 =	sand.u32 $0x3FFFFF00, s3;
	s10 =	sand.u32 $0x40, s13;
	v10 =	vor.u32 $0x100, v3;
	[tilespmem:s1+$0xF100] =	vst v4  }
0x108: {  	s11 =	sadd.s32 $0x15000, s11;
	s24 =	sor.u32 $0x20, s10;
	[tilespmem:s4+$0xF080] =	vst v5;
	v0 =	vld.idx.msk [tilespmem:v0+s16+$0x0], $0xffff  }
0x109: {  	s13 =	sor.u32 s24, s11;
	v4 =	vld.idx.msk [tilespmem:v6+s16+$0x0], $0xffff;
	[tilespmem:s12+$0xF080] =	vst v7  }
0x10a: {  	[tilespmem:s0+$0xF080] =	vst v9;
	v9 =	vld [tilespmem:s13+$0x0]  }
0x10b: {  	s18 =	sor.u32 $0x30, s10;
	v2 =	vor.u32 $0x180, v2;
	v5 =	vld.idx.msk [tilespmem:v8+s16+$0x0], $0xffff  }
0x10c: {  	s14 =	sor.u32 s18, s11;
	v6 =	vld.idx.msk [tilespmem:v10+s16+$0x0], $0xffff  }
0x10d: {  	v1 =	vor.u32 $0x180, v1;
	[tilespmem:s1+$0xF180] =	vst v0;
	v0 =	vld [tilespmem:s14+$0x0]  }
0x10e: {  	s15 =	sor.u32 s10, s11;
	v7 =	vld [tilespmem:s8+$0x80]  }
0x10f: {  	s17 =	sor.u32 $0x10, s10;
	v8 =	vld [tilespmem:s15+$0x0];
	[tilespmem:s4+$0xF100] =	vst v4  }
0x110: {  	s23 =	sor.u32 s17, s11;
	v2 =	vld.idx.msk [tilespmem:v2+s16+$0x0], $0xffff  }
0x111: {  	v4 =	vld [tilespmem:s23+$0x0];
	[tilespmem:s12+$0xF100] =	vst v5  }
0x112: {  	v3 =	vor.u32 $0x180, v3;
	v1 =	vld.idx.msk [tilespmem:v1+s16+$0x0], $0xffff;
	v10 =	vshll.u32 v0, $0x2  }
0x113: {  	v0 =	vand.u32 $0x7F, v0;
	v10 =	vand.u32 $0xFFFFFE00, v10;
	v11 =	vshll.u32 v7, $0x2  }
0x114: {  	v5 =	vor.u32 v0, v10;
	v0 =	vand.u32 $0x7F, v7;
	v7 =	vand.u32 $0xFFFFFE00, v11  }
0x115: {  	[tilespmem:s4+$0xF180] =	vst v2;
	v2 =	vshll.u32 v9, $0x2;
	v10 =	vshll.u32 v8, $0x2;
	v7 =	vor.u32 v0, v7  }
0x116: {  	[tilespmem:s0+$0xF100] =	vst v6;
	v11 =	vshll.u32 v4, $0x2;
	v8 =	vand.u32 $0x7F, v8;
	v0 =	vand.u32 $0xFFFFFE00, v10  }
0x117: {  	v3 =	vld.idx.msk [tilespmem:v3+s16+$0x0], $0xffff;
	v4 =	vand.u32 $0x7F, v4;
	[tilespmem:s12+$0xF180] =	vst v1;
	v6 =	vand.u32 $0xFFFFFE00, v11;
	v8 =	vor.u32 v8, v0  }
0x118: {  	v2 =	vand.u32 $0xFFFFFE00, v2;
	v10 =	vld [tilespmem:s20+$0x80];
	v4 =	vor.u32 v4, v6;
	v6 =	vand.u32 $0x7F, v9  }
0x119: {  	v6 =	vor.u32 v6, v2;
	v2 =	vld.idx.msk [tilespmem:v5+s16+$0x0], $0xffff  }
0x11a: {  	v9 =	vor.u32 $0x80, v5;
	v1 =	vld.idx.msk [tilespmem:v7+s16+$0x0], $0xffff  }
0x11b: {  	s25 =	simm.s32 $0x100;
	v0 =	vld [tilespmem:s19+$0x80];
	v11 =	vor.u32 $0x80, v7  }
0x11c: {  	s6 =	sand.u32 $0xFFFFFE00, s25;
	v12 =	vld.idx.msk [tilespmem:v8+s16+$0x0], $0xffff  }
0x11d: {  	s9 =	sor.u32 s6, s18;
	v13 =	vor.u32 $0x80, v8;
	v14 =	vld.idx.msk [tilespmem:v4+s16+$0x0], $0xffff  }
0x11e: {  	v15 =	vor.u32 $0x80, v4;
	v16 =	vld.idx.msk [tilespmem:v6+s16+$0x0], $0xffff;
	[tilespmem:s9+$0xF000] =	vst v2  }
0x11f: {  	v2 =	vor.u32 $0x80, v6;
	v9 =	vld.idx.msk [tilespmem:v9+s16+$0x0], $0xffff;
	[tilespmem:s1+$0x13000] =	vst v1  }
0x120: {  	s11 =	sor.u32 s10, s6;
	[tilespmem:s0+$0xF180] =	vst v3;
	v1 =	vshll.u32 v0, $0x2;
	v3 =	vld.idx.msk [tilespmem:v11+s16+$0x0], $0xffff;
	v11 =	vor.u32 $0x100, v5  }
0x121: {  	s7 =	sor.u32 s6, s17;
	v17 =	vld [tilespmem:s22+$0x80];
	v0 =	vand.u32 $0x7F, v0;
	v1 =	vand.u32 $0xFFFFFE00, v1;
	[tilespmem:s11+$0xF000] =	vst v12;
	v12 =	vor.u32 $0x100, v7  }
0x122: {  	s8 =	sor.u32 s6, s24;
	[tilespmem:s7+$0xF000] =	vst v14;
	v1 =	vor.u32 v0, v1;
	v13 =	vld.idx.msk [tilespmem:v13+s16+$0x0], $0xffff  }
0x123: {  	v14 =	vor.u32 $0x100, v8;
	v15 =	vld.idx.msk [tilespmem:v15+s16+$0x0], $0xffff;
	[tilespmem:s8+$0xF000] =	vst v16  }
0x124: {  	v16 =	vor.u32 $0x100, v4;
	v0 =	vshll.u32 v10, $0x2;
	v18 =	vld.idx.msk [tilespmem:v2+s16+$0x0], $0xffff;
	[tilespmem:s9+$0xF080] =	vst v9  }
0x125: {  	v0 =	vand.u32 $0xFFFFFE00, v0;
	v2 =	vand.u32 $0x7F, v10;
	v9 =	vor.u32 $0x100, v6;
	v10 =	vld.idx.msk [tilespmem:v11+s16+$0x0], $0xffff;
	[tilespmem:s1+$0x13080] =	vst v3  }
0x126: {  	v0 =	vor.u32 v2, v0;
	v3 =	vshll.u32 v17, $0x2;
	v11 =	vld.idx.msk [tilespmem:v12+s16+$0x0], $0xffff  }
0x127: {  	v5 =	vor.u32 $0x180, v5;
	v2 =	vand.u32 $0xFFFFFE00, v3;
	v3 =	vand.u32 $0x7F, v17;
	v12 =	vld.idx.msk [tilespmem:v1+s16+$0x0], $0xffff;
	[tilespmem:s11+$0xF080] =	vst v13  }
0x128: {  	[tilespmem:s7+$0xF080] =	vst v15;
	v2 =	vor.u32 v3, v2;
	v3 =	vld.idx.msk [tilespmem:v14+s16+$0x0], $0xffff  }
0x129: {  	v8 =	vor.u32 $0x180, v8;
	v13 =	vld.idx.msk [tilespmem:v16+s16+$0x0], $0xffff;
	[tilespmem:s8+$0xF080] =	vst v18  }
0x12a: {  	v9 =	vld.idx.msk [tilespmem:v9+s16+$0x0], $0xffff  }
0x12b: {  	s28 =	simm.s32 $0x100;
	v4 =	vor.u32 $0x180, v4;
	v14 =	vld.idx.msk [tilespmem:v0+s16+$0x0], $0xffff;
	[tilespmem:s9+$0xF100] =	vst v10  }
0x12c: {  	s25 =	simm.s32 $0x80;
	s10 =	sand.u32 $0x3FFFFF00, s28;
	v6 =	vor.u32 $0x180, v6;
	v5 =	vld.idx.msk [tilespmem:v5+s16+$0x0], $0xffff  }
0x12d: {  	s3 =	sand.u32 $0x40, s25;
	s10 =	sadd.s32 $0x15000, s10;
	v10 =	vld.idx.msk [tilespmem:v2+s16+$0x0], $0xffff;
	[tilespmem:s11+$0xF100] =	vst v3  }
0x12e: {  	s19 =	sor.u32 s3, s10;
	v3 =	vld.idx.msk [tilespmem:v8+s16+$0x0], $0xffff  }
0x12f: {  	[tilespmem:s7+$0xF100] =	vst v13;
	v13 =	vld [tilespmem:s19+$0x0]  }
0x130: {  	s20 =	sor.u32 $0x30, s3;
	v4 =	vld.idx.msk [tilespmem:v4+s16+$0x0], $0xffff;
	[tilespmem:s8+$0xF100] =	vst v9  }
0x131: {  	s18 =	sor.u32 s20, s10;
	v8 =	vor.u32 $0x80, v1;
	v6 =	vld.idx.msk [tilespmem:v6+s16+$0x0], $0xffff  }
0x132: {  	[tilespmem:s9+$0xF180] =	vst v5;
	v5 =	vld [tilespmem:s18+$0x0]  }
0x133: {  	v9 =	vld [tilespmem:s14+$0x80];
	s14 =	sor.u32 $0x10, s3;
	[tilespmem:s11+$0xF180] =	vst v3  }
0x134: {  	v3 =	vor.u32 $0x180, v7;
	s21 =	sor.u32 s14, s10;
	v7 =	vld [tilespmem:s15+$0x80]  }
0x135: {  	v15 =	vor.u32 $0x80, v0;
	[tilespmem:s4+$0x13000] =	vst v12;
	s15 =	sor.u32 $0x20, s3;
	v12 =	vld [tilespmem:s21+$0x0]  }
0x136: {  	v16 =	vor.u32 $0x100, v1;
	v8 =	vld.idx.msk [tilespmem:v8+s16+$0x0], $0xffff;
	s22 =	sor.u32 s15, s10  }
0x137: {  	v17 =	vor.u32 $0x80, v2;
	v18 =	vor.u32 $0x100, v0;
	[tilespmem:s7+$0xF180] =	vst v4;
	v19 =	vld [tilespmem:s22+$0x0];
	v4 =	vshll.u32 v5, $0x2  }
0x138: {  	[tilespmem:s1+$0x13100] =	vst v11;
	v20 =	vld [tilespmem:s23+$0x80];
	v5 =	vand.u32 $0x7F, v5;
	v4 =	vand.u32 $0xFFFFFE00, v4;
	v11 =	vshll.u32 v9, $0x2  }
0x139: {  	[tilespmem:s12+$0x13000] =	vst v14;
	v3 =	vld.idx.msk [tilespmem:v3+s16+$0x0], $0xffff;
	v4 =	vor.u32 v5, v4;
	v5 =	vand.u32 $0x7F, v9;
	v9 =	vand.u32 $0xFFFFFE00, v11  }
0x13a: {  	[tilespmem:s8+$0xF180] =	vst v6;
	v6 =	vshll.u32 v13, $0x2;
	v11 =	vshll.u32 v12, $0x2;
	v5 =	vor.u32 v5, v9;
	v9 =	vld.idx.msk [tilespmem:v15+s16+$0x0], $0xffff  }
0x13b: {  	[tilespmem:s0+$0x13000] =	vst v10;
	v6 =	vand.u32 $0xFFFFFE00, v6;
	v15 =	vld [tilespmem:s13+$0x80];
	v10 =	vand.u32 $0xFFFFFE00, v11;
	v11 =	vand.u32 $0x7F, v13  }
0x13c: {  	[tilespmem:s4+$0x13080] =	vst v8;
	v12 =	vand.u32 $0x7F, v12;
	v13 =	vld.idx.msk [tilespmem:v17+s16+$0x0], $0xffff;
	v8 =	vshll.u32 v19, $0x2;
	v6 =	vor.u32 v11, v6  }
0x13d: {  	v11 =	vld.idx.msk [tilespmem:v16+s16+$0x0], $0xffff;
	v10 =	vor.u32 v12, v10;
	v12 =	vand.u32 $0x7F, v19;
	v8 =	vand.u32 $0xFFFFFE00, v8  }
0x13e: {  	v8 =	vor.u32 v12, v8;
	v12 =	vld.idx.msk [tilespmem:v4+s16+$0x0], $0xffff;
	[tilespmem:s1+$0x13180] =	vst v3  }
0x13f: {  	v3 =	vor.u32 $0x100, v2;
	v14 =	vld.idx.msk [tilespmem:v5+s16+$0x0], $0xffff;
	[tilespmem:s12+$0x13080] =	vst v9  }
0x140: {  	v16 =	vor.u32 $0x80, v4;
	v17 =	vld.idx.msk [tilespmem:v18+s16+$0x0], $0xffff  }
0x141: {  	s24 =	simm.s32 $0x200;
	v9 =	vor.u32 $0x80, v5;
	v18 =	vld.idx.msk [tilespmem:v6+s16+$0x0], $0xffff  }
0x142: {  	s28 =	sand.u32 $0xFFFFFE00, s24;
	v1 =	vor.u32 $0x180, v1;
	[tilespmem:s0+$0x13080] =	vst v13;
	v13 =	vld.idx.msk [tilespmem:v10+s16+$0x0], $0xffff  }
0x143: {  	v19 =	vor.u32 $0x80, v6;
	s1 =	sor.u32 s28, s20;
	[tilespmem:s4+$0x13100] =	vst v11;
	v21 =	vld.idx.msk [tilespmem:v8+s16+$0x0], $0xffff  }
0x144: {  	[tilespmem:s1+$0xF000] =	vst v12;
	v12 =	vor.u32 $0x80, v10;
	v3 =	vld.idx.msk [tilespmem:v3+s16+$0x0], $0xffff  }
0x145: {  	v16 =	vld.idx.msk [tilespmem:v16+s16+$0x0], $0xffff;
	[tilespmem:s9+$0x13000] =	vst v14;
	v14 =	vor.u32 $0x80, v8  }
0x146: {  	v22 =	vshll.u32 v20, $0x2;
	s13 =	sor.u32 s3, s28;
	v23 =	vor.u32 $0x100, v4;
	v11 =	vshll.u32 v7, $0x2;
	v9 =	vld.idx.msk [tilespmem:v9+s16+$0x0], $0xffff;
	[tilespmem:s12+$0x13100] =	vst v17  }
0x147: {  	s24 =	sor.u32 s28, s14;
	v7 =	vand.u32 $0x7F, v7;
	v11 =	vand.u32 $0xFFFFFE00, v11;
	v17 =	vor.u32 $0x100, v5;
	[tilespmem:s13+$0xF000] =	vst v18;
	v18 =	vld.idx.msk [tilespmem:v1+s16+$0x0], $0xffff  }
0x148: {  	s23 =	sor.u32 s28, s15;
	v20 =	vand.u32 $0x7F, v20;
	v1 =	vand.u32 $0xFFFFFE00, v22;
	v22 =	vor.u32 v7, v11;
	[tilespmem:s24+$0xF000] =	vst v13;
	v7 =	vld.idx.msk [tilespmem:v19+s16+$0x0], $0xffff  }
0x149: {  	v24 =	vor.u32 v20, v1;
	v13 =	vld.idx.msk [tilespmem:v12+s16+$0x0], $0xffff;
	[tilespmem:s23+$0xF000] =	vst v21  }
0x14a: {  	v19 =	vor.u32 $0x100, v6;
	v21 =	vld.idx.msk [tilespmem:v14+s16+$0x0], $0xffff;
	[tilespmem:s1+$0xF080] =	vst v16  }
0x14b: {  	v16 =	vor.u32 $0x100, v10;
	v23 =	vld.idx.msk [tilespmem:v23+s16+$0x0], $0xffff;
	[tilespmem:s9+$0x13080] =	vst v9  }
0x14c: {  	v25 =	vor.u32 $0x100, v8;
	[tilespmem:s0+$0x13100] =	vst v3;
	v26 =	vld.idx.msk [tilespmem:v17+s16+$0x0], $0xffff  }
0x14d: {  	v1 =	vor.u32 $0x180, v0;
	v0 =	vshll.u32 v15, $0x2;
	v3 =	vor.u32 $0x180, v4;
	v27 =	vld.idx.msk [tilespmem:v22+s16+$0x0], $0xffff;
	[tilespmem:s4+$0x13180] =	vst v18  }
0x14e: {  	v28 =	vor.u32 $0x180, v5;
	v0 =	vand.u32 $0xFFFFFE00, v0;
	v4 =	vand.u32 $0x7F, v15;
	[tilespmem:s13+$0xF080] =	vst v7;
	v14 =	vld.idx.msk [tilespmem:v24+s16+$0x0], $0xffff  }
0x14f: {  	v2 =	vor.u32 $0x180, v2;
	v20 =	vld.idx.msk [tilespmem:v19+s16+$0x0], $0xffff;
	[tilespmem:s24+$0xF080] =	vst v13;
	v13 =	vor.u32 v4, v0  }
0x150: {  	v11 =	vor.u32 $0x180, v6;
	v12 =	vor.u32 $0x180, v10;
	v15 =	vor.u32 $0x80, v22;
	v18 =	vld.idx.msk [tilespmem:v16+s16+$0x0], $0xffff;
	[tilespmem:s23+$0xF080] =	vst v21  }
0x151: {  	v6 =	vor.u32 $0x180, v24;
	v10 =	vor.u32 $0x180, v8;
	v9 =	vor.u32 $0x100, v22;
	v19 =	vld.idx.msk [tilespmem:v25+s16+$0x0], $0xffff;
	[tilespmem:s1+$0xF100] =	vst v23  }
0x152: {  	v7 =	vor.u32 $0x80, v24;
	v4 =	vor.u32 $0x100, v24;
	v8 =	vor.u32 $0x80, v13;
	v17 =	vld.idx.msk [tilespmem:v3+s16+$0x0], $0xffff;
	[tilespmem:s9+$0x13100] =	vst v26  }
0x153: {  	s4 =	simm.s32 $0x8;
	v0 =	vor.u32 $0x100, v13;
	v5 =	vor.u32 $0x180, v13;
	v3 =	vor.u32 $0x180, v22;
	[tilespmem:s11+$0x13000] =	vst v27;
	v16 =	vld.idx.msk [tilespmem:v28+s16+$0x0], $0xffff  }
.LBB2_5:
0x154: {  	s4 =	sadd.s32 $0x4, s4;
	[tilespmem:s7+$0x13000] =	vst v14;
	v13 =	vld.idx.msk [tilespmem:v13+s16+$0x0], $0xffff  }
0x155: {  	s25 =	sadd.s32 $0x40, s25;
	s10 =	sshll.u32 s4, $0x5;
	p1 =	slt.u32 s4, $0x7C;
	[tilespmem:s13+$0xF100] =	vst v20;
	v14 =	vld.idx.msk [tilespmem:v15+s16+$0x0], $0xffff  }
0x156: {  	s6 =	sand.u32 $0x40, s25;
	s10 =	sand.u32 $0x3FFFFF00, s10;
	v11 =	vld.idx.msk [tilespmem:v11+s16+$0x0], $0xffff;
	[tilespmem:s24+$0xF100] =	vst v18  }
0x157: {  	s17 =	sor.u32 $0x10, s6;
	s20 =	sor.u32 $0x30, s6;
	s3 =	sadd.s32 $0x15000, s10;
	v12 =	vld.idx.msk [tilespmem:v12+s16+$0x0], $0xffff;
	[tilespmem:s23+$0xF100] =	vst v19  }
0x158: {  	s10 =	sor.u32 $0x20, s6;
	s14 =	sor.u32 s6, s3;
	s15 =	sor.u32 s20, s3;
	v10 =	vld.idx.msk [tilespmem:v10+s16+$0x0], $0xffff;
	[tilespmem:s1+$0xF180] =	vst v17  }
0x159: {  	s28 =	sor.u32 s17, s3;
	s3 =	sor.u32 s10, s3;
	v15 =	vld [tilespmem:s15+$0x0];
	[tilespmem:s9+$0x13180] =	vst v16;
	s9 =	smov.u32 s1  }
0x15a: {  	v16 =	vld [tilespmem:s18+$0x80];
	[tilespmem:s8+$0x13000] =	vst v13;
	s18 =	smov.u32 s15  }
0x15b: {  	v13 =	vld [tilespmem:s14+$0x0];
	[tilespmem:s11+$0x13080] =	vst v14  }
0x15c: {  	v14 =	vld [tilespmem:s28+$0x0];
	[tilespmem:s13+$0xF180] =	vst v11  }
0x15d: {  	v11 =	vld [tilespmem:s3+$0x0];
	[tilespmem:s24+$0xF180] =	vst v12  }
0x15e: {  	v12 =	vshll.u32 v15, $0x2;
	v17 =	vld [tilespmem:s19+$0x80];
	[tilespmem:s23+$0xF180] =	vst v10;
	s19 =	smov.u32 s14  }
0x15f: {  	v10 =	vand.u32 $0x7F, v15;
	v12 =	vand.u32 $0xFFFFFE00, v12;
	v15 =	vld [tilespmem:s21+$0x80];
	v18 =	vshll.u32 v16, $0x2;
	s21 =	smov.u32 s28  }
0x160: {  	v19 =	vor.u32 v10, v12;
	v20 =	vld [tilespmem:s22+$0x80];
	v10 =	vand.u32 $0x7F, v16;
	v12 =	vand.u32 $0xFFFFFE00, v18;
	s22 =	smov.u32 s3  }
0x161: {  	v16 =	vshll.u32 v13, $0x2;
	v18 =	vshll.u32 v14, $0x2;
	v21 =	vor.u32 v10, v12;
	v7 =	vld.idx.msk [tilespmem:v7+s16+$0x0], $0xffff  }
0x162: {  	v10 =	vand.u32 $0xFFFFFE00, v16;
	v12 =	vand.u32 $0xFFFFFE00, v18;
	v16 =	vshll.u32 v11, $0x2;
	v8 =	vld.idx.msk [tilespmem:v8+s16+$0x0], $0xffff  }
0x163: {  	v13 =	vand.u32 $0x7F, v13;
	v14 =	vand.u32 $0x7F, v14;
	v16 =	vand.u32 $0xFFFFFE00, v16;
	v9 =	vld.idx.msk [tilespmem:v9+s16+$0x0], $0xffff  }
0x164: {  	v13 =	vor.u32 v13, v10;
	v10 =	vand.u32 $0x7F, v11;
	v14 =	vor.u32 v14, v12;
	v18 =	vld.idx.msk [tilespmem:v1+s16+$0x0], $0xffff;
	v1 =	vmovc v6  }
0x165: {  	v6 =	vor.u32 $0x80, v13;
	v22 =	vor.u32 $0x80, v14;
	v16 =	vor.u32 v10, v16;
	v23 =	vld.idx.msk [tilespmem:v19+s16+$0x0], $0xffff  }
0x166: {  	v24 =	vor.u32 $0x100, v13;
	v25 =	vor.u32 $0x100, v14;
	v26 =	vor.u32 $0x80, v16;
	v27 =	vld.idx.msk [tilespmem:v21+s16+$0x0], $0xffff  }
0x167: {  	v29 =	vor.u32 $0x80, v19;
	v11 =	vor.u32 $0x180, v13;
	v28 =	vor.u32 $0x100, v16;
	[tilespmem:s7+$0x13080] =	vst v7;
	v30 =	vld.idx.msk [tilespmem:v2+s16+$0x0], $0xffff;
	v2 =	vmovc v5  }
0x168: {  	s1 =	sshll.u32 s4, $0x6;
	v12 =	vor.u32 $0x180, v14;
	v10 =	vor.u32 $0x180, v16;
	v5 =	vor.u32 $0x80, v21;
	v4 =	vld.idx.msk [tilespmem:v4+s16+$0x0], $0xffff;
	[tilespmem:s8+$0x13080] =	vst v8  }
0x169: {  	s3 =	sand.u32 $0xFFFFFE00, s1;
	v7 =	vshll.u32 v17, $0x2;
	v8 =	vshll.u32 v15, $0x2;
	v31 =	vld.idx.msk [tilespmem:v13+s16+$0x0], $0xffff;
	v13 =	vshll.u32 v20, $0x2;
	[tilespmem:s11+$0x13100] =	vst v9  }
0x16a: {  	s6 =	sor.u32 s6, s3;
	s14 =	sor.u32 s3, s17;
	s1 =	sor.u32 s3, s20;
	v7 =	vand.u32 $0xFFFFFE00, v7;
	v8 =	vand.u32 $0xFFFFFE00, v8;
	v14 =	vld.idx.msk [tilespmem:v14+s16+$0x0], $0xffff;
	v9 =	vand.u32 $0xFFFFFE00, v13;
	[tilespmem:s12+$0x13180] =	vst v18  }
0x16b: {  	s3 =	sor.u32 s3, s10;
	v15 =	vand.u32 $0x7F, v15;
	v13 =	vand.u32 $0x7F, v17;
	v17 =	vand.u32 $0x7F, v20;
	s12 =	smov.u32 s7;
	s7 =	smov.u32 s24;
	v16 =	vld.idx.msk [tilespmem:v16+s16+$0x0], $0xffff;
	[tilespmem:s1+$0xF000] =	vst v23  }
0x16c: {  	s24 =	smov.u32 s14;
	v20 =	vor.u32 v13, v7;
	v23 =	vor.u32 v15, v8;
	v18 =	vld.idx.msk [tilespmem:v29+s16+$0x0], $0xffff;
	[tilespmem:s9+$0x13000] =	vst v27  }
0x16d: {  	v13 =	vor.u32 v17, v9;
	v15 =	vor.u32 $0x80, v20;
	v7 =	vor.u32 $0x80, v23;
	v17 =	vld.idx.msk [tilespmem:v5+s16+$0x0], $0xffff;
	[tilespmem:s0+$0x13180] =	vst v30;
	s0 =	smov.u32 s8;
	s8 =	smov.u32 s23;
	s23 =	smov.u32 s3  }
0x16e: {  	v27 =	vor.u32 $0x100, v19;
	v9 =	vor.u32 $0x100, v20;
	v8 =	vor.u32 $0x80, v13;
	[tilespmem:s12+$0x13100] =	vst v4;
	v29 =	vld.idx.msk [tilespmem:v0+s16+$0x0], $0xffff  }
0x16f: {  	v30 =	vor.u32 $0x100, v21;
	v4 =	vor.u32 $0x100, v23;
	v0 =	vor.u32 $0x100, v13;
	[tilespmem:s6+$0xF000] =	vst v31;
	v31 =	vld.idx.msk [tilespmem:v3+s16+$0x0], $0xffff  }
0x170: {  	v5 =	vor.u32 $0x180, v13;
	v3 =	vor.u32 $0x180, v20;
	v32 =	vld.idx.msk [tilespmem:v6+s16+$0x0], $0xffff;
	[tilespmem:s24+$0xF000] =	vst v14;
	v6 =	vor.u32 $0x180, v23  }
0x171: {  	v22 =	vld.idx.msk [tilespmem:v22+s16+$0x0], $0xffff;
	[tilespmem:s23+$0xF000] =	vst v16  }
0x172: {  	v16 =	vld.idx.msk [tilespmem:v26+s16+$0x0], $0xffff;
	[tilespmem:s1+$0xF080] =	vst v18  }
0x173: {  	v26 =	vld.idx.msk [tilespmem:v27+s16+$0x0], $0xffff;
	[tilespmem:s9+$0x13080] =	vst v17  }
0x174: {  	v27 =	vld.idx.msk [tilespmem:v30+s16+$0x0], $0xffff;
	[tilespmem:s0+$0x13100] =	vst v29  }
0x175: {  	v17 =	vor.u32 $0x180, v19;
	v29 =	vld.idx.msk [tilespmem:v20+s16+$0x0], $0xffff;
	[tilespmem:s11+$0x13180] =	vst v31;
	s11 =	smov.u32 s13;
	s13 =	smov.u32 s6  }
0x176: {  	v21 =	vor.u32 $0x180, v21;
	[tilespmem:s13+$0xF080] =	vst v32;
	v14 =	vld.idx.msk [tilespmem:v23+s16+$0x0], $0xffff  }
.Ltmp1:
0x177: {  	v20 =	vld.idx.msk [tilespmem:v24+s16+$0x0], $0xffff;
	[tilespmem:s24+$0xF080] =	vst v22;
	(pc) =	sbr.rel @p1 .LBB2_5-.Ltmp1, $4  }
0x178: {  	v18 =	vld.idx.msk [tilespmem:v25+s16+$0x0], $0xffff;
	[tilespmem:s23+$0xF080] =	vst v16  }
0x179: {  	v19 =	vld.idx.msk [tilespmem:v28+s16+$0x0], $0xffff;
	[tilespmem:s1+$0xF100] =	vst v26  }
0x17a: {  	v17 =	vld.idx.msk [tilespmem:v17+s16+$0x0], $0xffff;
	[tilespmem:s9+$0x13100] =	vst v27  }
0x17b: {  	[tilespmem:s11+$0x13000] =	vst v29;
	v16 =	vld.idx.msk [tilespmem:v21+s16+$0x0], $0xffff  }
0x17c: {  	_ =	sdelay $0x2  }
0x17d: {  	[tilespmem:s13+$0xF100] =	vst v20  }
0x17e: {  	v11 =	vld.idx.msk [tilespmem:v11+s16+$0x0], $0xffff;
	[tilespmem:s24+$0xF100] =	vst v18  }
0x17f: {  	v12 =	vld.idx.msk [tilespmem:v12+s16+$0x0], $0xffff  }
0x180: {  	v15 =	vld.idx.msk [tilespmem:v15+s16+$0x0], $0xffff;
	[tilespmem:s23+$0xF100] =	vst v19  }
0x181: {  	v10 =	vld.idx.msk [tilespmem:v10+s16+$0x0], $0xffff;
	[tilespmem:s1+$0xF180] =	vst v17  }
0x182: {  	v17 =	vld [tilespmem:s18+$0x80]  }
0x183: {  	[tilespmem:s13+$0xF180] =	vst v11  }
0x184: {  	v11 =	vld [tilespmem:s19+$0x80];
	[tilespmem:s24+$0xF180] =	vst v12  }
0x185: {  	v12 =	vld [tilespmem:s21+$0x80]  }
0x186: {  	[tilespmem:s11+$0x13080] =	vst v15  }
0x187: {  	v9 =	vld.idx.msk [tilespmem:v9+s16+$0x0], $0xffff;
	[tilespmem:s23+$0xF180] =	vst v10;
	v36 =	vshll.u32 v17, $0x2  }
0x188: {  	v10 =	vld [tilespmem:s22+$0x80];
	v17 =	vand.u32 $0x7F, v17;
	v15 =	vand.u32 $0xFFFFFE00, v36  }
0x189: {  	v15 =	vor.u32 v17, v15;
	v37 =	vshll.u32 v11, $0x2  }
0x18a: {  	v11 =	vand.u32 $0x7F, v11;
	v38 =	vshll.u32 v12, $0x2;
	v17 =	vand.u32 $0xFFFFFE00, v37  }
0x18b: {  	v1 =	vld.idx.msk [tilespmem:v1+s16+$0x0], $0xffff;
	[tilespmem:s7+$0x13000] =	vst v14;
	v12 =	vand.u32 $0x7F, v12;
	v40 =	vand.u32 $0xFFFFFE00, v38;
	v11 =	vor.u32 v11, v17  }
0x18c: {  	v44 =	vld.idx.msk [tilespmem:v13+s16+$0x0], $0xffff;
	[tilespmem:s11+$0x13100] =	vst v9;
	v9 =	vor.u32 v12, v40  }
0x18d: {  	v51 =	vld.idx.msk [tilespmem:v7+s16+$0x0], $0xffff;
	v39 =	vshll.u32 v10, $0x2  }
0x18e: {  	v2 =	vld.idx.msk [tilespmem:v2+s16+$0x0], $0xffff;
	v10 =	vand.u32 $0x7F, v10;
	v41 =	vand.u32 $0xFFFFFE00, v39  }
0x18f: {  	[tilespmem:s9+$0x13180] =	vst v16;
	v42 =	vld.idx.msk [tilespmem:v15+s16+$0x0], $0xffff;
	v10 =	vor.u32 v10, v41  }
0x190: {  	[tilespmem:s12+$0x13180] =	vst v1;
	v43 =	vor.u32 $0x80, v15;
	v45 =	vld.idx.msk [tilespmem:v11+s16+$0x0], $0xffff  }
0x191: {  	[tilespmem:s8+$0x13000] =	vst v44;
	v46 =	vor.u32 $0x80, v11;
	v47 =	vld.idx.msk [tilespmem:v9+s16+$0x0], $0xffff  }
0x192: {  	v8 =	vld.idx.msk [tilespmem:v8+s16+$0x0], $0xffff;
	[tilespmem:s7+$0x13080] =	vst v51;
	v48 =	vor.u32 $0x80, v9  }
0x193: {  	[tilespmem:s0+$0x13180] =	vst v2;
	v4 =	vld.idx.msk [tilespmem:v4+s16+$0x0], $0xffff  }
0x194: {  	[tilespmem:s1+$0x13000] =	vst v42;
	v17 =	vld.idx.msk [tilespmem:v10+s16+$0x0], $0xffff  }
0x195: {  	v50 =	vor.u32 $0x80, v10;
	v49 =	vld.idx.msk [tilespmem:v43+s16+$0x0], $0xffff;
	[tilespmem:s13+$0x13000] =	vst v45  }
0x196: {  	v52 =	vor.u32 $0x100, v15;
	[tilespmem:s24+$0x13000] =	vst v47;
	v2 =	vld.idx.msk [tilespmem:v46+s16+$0x0], $0xffff  }
0x197: {  	[tilespmem:s8+$0x13080] =	vst v8;
	v53 =	vor.u32 $0x100, v11;
	v12 =	vld.idx.msk [tilespmem:v48+s16+$0x0], $0xffff  }
0x198: {  	v3 =	vld.idx.msk [tilespmem:v3+s16+$0x0], $0xffff;
	[tilespmem:s7+$0x13100] =	vst v4;
	v54 =	vor.u32 $0x100, v9  }
0x199: {  	v0 =	vld.idx.msk [tilespmem:v0+s16+$0x0], $0xffff;
	[tilespmem:s23+$0x13000] =	vst v17  }
0x19a: {  	[tilespmem:s1+$0x13080] =	vst v49;
	v55 =	vld.idx.msk [tilespmem:v50+s16+$0x0], $0xffff  }
0x19b: {  	v56 =	vor.u32 $0x100, v10;
	v7 =	vld.idx.msk [tilespmem:v52+s16+$0x0], $0xffff;
	[tilespmem:s13+$0x13080] =	vst v2  }
0x19c: {  	v2 =	vld.idx.msk [tilespmem:v53+s16+$0x0], $0xffff;
	[tilespmem:s24+$0x13080] =	vst v12  }
0x19d: {  	[tilespmem:s11+$0x13180] =	vst v3;
	v59 =	vld.idx.msk [tilespmem:v54+s16+$0x0], $0xffff  }
0x19e: {  	v57 =	vor.u32 $0x180, v15;
	[tilespmem:s8+$0x13100] =	vst v0  }
0x19f: {  	v58 =	vor.u32 $0x180, v11;
	[tilespmem:s23+$0x13080] =	vst v55  }
0x1a0: {  	v9 =	vor.u32 $0x180, v9;
	[tilespmem:s1+$0x13100] =	vst v7;
	v1 =	vld.idx.msk [tilespmem:v56+s16+$0x0], $0xffff  }
0x1a1: {  	v61 =	vld.idx.msk [tilespmem:v6+s16+$0x0], $0xffff;
	v60 =	vor.u32 $0x180, v10;
	[tilespmem:s13+$0x13100] =	vst v2  }
0x1a2: {  	v5 =	vld.idx.msk [tilespmem:v5+s16+$0x0], $0xffff;
	[tilespmem:s24+$0x13100] =	vst v59  }
0x1a3: {  	v7 =	vld.idx.msk [tilespmem:v57+s16+$0x0], $0xffff;
	s0 =	rddreg [dreg:$0x5]  }
0x1a4: {  	v2 =	vld.idx.msk [tilespmem:v58+s16+$0x0], $0xffff;
	s3 =	rddreg [dreg:$0xc]  }
0x1a5: {  	[tilespmem:s23+$0x13100] =	vst v1;
	v62 =	vld.idx.msk [tilespmem:v9+s16+$0x0], $0xffff;
	s0 =	sadd.s32 @!p0 s0, s3  }
0x1a6: {  	[tilespmem:s7+$0x13180] =	vst v61;
	v63 =	vld.idx.msk [tilespmem:v60+s16+$0x0], $0xffff;
	s0 =	sshrl.u32 @!p0 s0, $0x3  }
0x1a7: {  	[tilespmem:s8+$0x13180] =	vst v5;
	s0 =	smul.u32 @!p0 $0xD000, s0  }
0x1a8: {  	[tilespmem:s1+$0x13180] =	vst v7  }
0x1a9: {  	s14 =	rddreg [dreg:$0x0];
	[tilespmem:s13+$0x13180] =	vst v2;
	s0 =	sor.u32 @!p0 s30, s0  }
0x1aa: {  	s4 =	simm.s32 @!p0 $0x6800;
	s1 =	simm.s32 @!p0 $0x200;
	[tilespmem:s24+$0x13180] =	vst v62;
	s0 =	sshrl.u32 @!p0 s0, $0x3  }
0x1ab: {  	s3 =	simm.s32 @!p0 $0x400;
	s24 =	sor.u32 s29, s2;
	[tilespmem:s23+$0x13180] =	vst v63;
	s0 =	sadd.s32 @!p0 s14, s0  }
0x1ac: {  	[tilespmem:s4], [sflag:$0x2] =	stream.strided.gather @!p0 [hbm4b:s0+s1], $0x6800, s3, s1, $0x38;
	[tilespmem:$0x16000] =	vst v63  }
0x1ad: {  	s15 =	simm.s32 $0x200;
	s0 =	sshrl.u32 s24, $0x3  }
0x1ae: {  	s25 =	simm.s32 $0x400;
	s3 =	rddreg [dreg:$0x2];
	s0 =	sor.u32 $0x800, s0  }
0x1af: {  	s28 =	simm.s32 $0xF000;
	p0 =	sne.s32 s26, $0x3C;
	s0 =	sadd.s32 s3, s0  }
0x1b0: {  	[hbm4b:s0+s15] =	stream.strided.scatter [tilespmem:s28], [sflag:$0x4], $0x2000, s25, s15, $0x38;
	[tilespmem:$0x16000] =	vst v63  }
.Ltmp2:
0x1b1: {  	s30 =	sadd.s32 s29, s31;
	(pc) =	sbr.rel @p0 .LBB2_2-.Ltmp2, $4  }
0x1b2: {  	s0 =	sadd.s32 $0x1E04000, s30  }
0x1b3: {  	s0 =	sshrl.u32 s0, $0x3  }
0x1b4: {  	s31 =	simm.s32 $0x13000;
	s29 =	smov.u32 s26;
	s0 =	sadd.s32 s3, s0  }
0x1b5: {  	[hbm4b:s0+s15] =	stream.strided.scatter [tilespmem:s31], [sflag:$0x4], $0x2000, s25, s15, $0x38;
	[tilespmem:$0x16000] =	vst v63  }
0x1b6: {  	s0 =	simm.s32 $0x3  }
0x1b7: {  	_ =	swait.ge [sflag:s0], $0x2000  }
0x1b8: {  	[sflag:s0] =	ssyncset.done $0x0  }
0x1b9: {  	[sflag:s0] =	ssyncadd.s32 $0xFFFFE000  }
0x1ba: {  	_ =	swait.ge [sflag:s0], $0x2000  }
0x1bb: {  	[sflag:s0] =	ssyncset.done $0x0  }
0x1bc: {  	s1 =	simm.s32 $0x4;
	[sflag:s0] =	ssyncadd.s32 $0xFFFFE000  }
0x1bd: {  	_ =	swait.ge [sflag:s1], $0x2000  }
0x1be: {  	[sflag:s1] =	ssyncset.done $0x0  }
0x1bf: {  	[sflag:s1] =	ssyncadd.s32 $0xFFFFE000  }
0x1c0: {  	_ =	swait.ge [sflag:s1], $0x2000  }
0x1c1: {  	s2 =	rddreg [dreg:$0xb]  }
0x1c2: {  	s31 =	rddreg [dreg:$0xa];
	s2 =	sadd.s32 $0x1, s2  }
0x1c3: {  	p0 =	sne.s32 s2, s31  }
.Ltmp3:
0x1c4: {  	_ = 	snop;
	(pc) =	sbr.rel @p0 .LBB2_1-.Ltmp3, $3  }
0x1c5: {  	_ =	sdelay $0x1  }
0x1c6: {  	[sflag:s1] =	ssyncset.done $0x0  }
0x1c7: {  	[sflag:s1] =	ssyncadd.s32 $0xFFFFE000  }
0x1c8: {  	_ =	sfence.sel $0x180000  }
0x1c9: {  	[bflag:$0x0] =	sbarrier.arrive $0xFFFF  }
0x1ca: {  	_ =	strace $0x90000047  }
0x1cb: {  	s0 =	stileid.u32;
	[bflag:$0x2] =	sbarrier.arrive $0xFFFF  }
0x1cc: {  	p0 =	sne.s32 s0, $0x0;
	s0 =	rddreg [dreg:$0x3]  }
0x1cd: {  	s0 =	sadd.s32 @!p0 $0x100000, s0  }
0x1ce: {  	[sflag:s0] =	ssyncadd.tile.s32 @!p0 $0x1;
	_ =	shalt  }
.Lfunc_end2:
_tile_overlayer_lowered:
.L_overlay_start_2:
0x1cf: {  	(tag) =	ssettag $0x2  }
0x1d0: {  	s0 =	rddreg [dreg:$0x0];
	s2 =	stileid.u32  }
0x1d1: {  	s1 =	rddreg [dreg:$0x1];
	p0 =	sne.s32 s2, $0x0  }
0x1d2: {  	s3 =	rddreg [dreg:$0x2];
	[bflag:$0x3] =	sbarrier.arrive $0xFFFF;
	s2 =	simm.s32 @!p0 $0x1C05  }
0x1d3: {  	[timem:s3], [sflag:s2] =	dma.local @!p0 [hbm:s0], s1  }
0x1d4: {  	s0 =	simm.s32 @!p0 $0x5  }
0x1d5: {  	_ =	swait.ge @!p0 [sflag:s0], s1  }
0x1d6: {  	s1 =	ssub.s32 @!p0 $0x0, s1;
	[sflag:s0] =	ssyncset.done @!p0 $0x0  }
0x1d7: {  	[sflag:s0] =	ssyncadd.s32 @!p0 s1  }
0x1d8: {  	[bflag:$0x3] =	sbarrier.arrive $0xFFFF  }
0x1d9: {  	_ =	shalt  }

</sc_bundles>
